<compile_context>
chip_gen: v7x
topology: tpu7x:2x2x1
jax: 0.10.2.dev20260603
libtpu: 0.0.44.dev20260713+nightly
codegen_flags: <defaults>
</compile_context>

<pallas_src>
import functools

import jax
import jax.numpy as jnp
from jax import lax
from jax.experimental import pallas as pl
from jax.experimental.pallas import tpu as pltpu
from jax.experimental.pallas import tpu_sc as plsc

N_NODES = 10000
N_EDGES = 320000
D_SCALAR = 128
D_EDGE = 16
D_HIDDEN = 128

_A_BLK = 1000


def _tables_body(ns_ref, w_ref, out_ref):
    out_ref[...] = jnp.dot(ns_ref[...].astype(jnp.bfloat16),
                           w_ref[...].astype(jnp.bfloat16),
                           preferred_element_type=jnp.float32)


def _node_tables(node_scalars, W1):
    return pl.pallas_call(
        _tables_body,
        grid=(2, N_NODES // _A_BLK),
        in_specs=[
            pl.BlockSpec((_A_BLK, D_SCALAR), lambda t, i: (i, 0)),
            pl.BlockSpec((D_SCALAR, D_HIDDEN), lambda t, i: (t, 0)),
        ],
        out_specs=pl.BlockSpec((_A_BLK, D_HIDDEN),
                               lambda t, i: (t * (N_NODES // _A_BLK) + i, 0)),
        out_shape=jax.ShapeDtypeStruct((2 * N_NODES, D_HIDDEN), jnp.float32),
    )(node_scalars, W1)


_NW = 32
_SPLITS = (256000, 64000)
_C = 400


_GATHER_ADD_CACHE = {}


def _gather_add_build(ebase, e_chunk):
    key = (ebase, e_chunk)
    if key in _GATHER_ADD_CACHE:
        return _GATHER_ADD_CACHE[key]
    _EP = e_chunk // _NW
    _NCHUNK = _EP // _C
    mesh = plsc.VectorSubcoreMesh(core_axis_name="c", subcore_axis_name="s")

    @functools.partial(
        pl.kernel,
        out_type=jax.ShapeDtypeStruct((e_chunk, D_HIDDEN), jnp.float32),
        mesh=mesh,
        scratch_types=[
            pltpu.VMEM((_EP,), jnp.int32),
            pltpu.VMEM((_EP,), jnp.int32),
            pltpu.VMEM((_C, D_HIDDEN), jnp.float32),
            pltpu.VMEM((_C, D_HIDDEN), jnp.float32),
            pltpu.SemaphoreType.DMA,
            pltpu.SemaphoreType.DMA,
            pltpu.SemaphoreType.DMA,
            pltpu.SemaphoreType.DMA,
        ],
    )
    def gather_add(table_hbm, src_hbm, dst_hbm, out_hbm,
                   idx_s, idx_d, buf0, buf1, gs0, gs1, ws0, ws1):
        wid = lax.axis_index("s") * 2 + lax.axis_index("c")
        base = pl.multiple_of(wid * _EP, 8)
        bufs = (buf0, buf1)
        gsems = (gs0, gs1)
        wsems = (ws0, ws1)

        pltpu.sync_copy(src_hbm.at[pl.ds(ebase + base, _EP)], idx_s)
        pltpu.sync_copy(dst_hbm.at[pl.ds(ebase + base, _EP)], idx_d)

        def off_row(i, c):
            sl = pl.ds(i * 16, 16)
            idx_d[sl] = idx_d[sl] + N_NODES
            return c

        lax.fori_loop(0, _EP // 16, off_row, 0)

        def g1(ci):
            s = ci % 2
            return pltpu.async_copy(
                table_hbm.at[idx_s.at[pl.ds(ci * _C, _C)]], bufs[s], gsems[s])

        def g2(ci):
            s = ci % 2
            return pltpu.async_copy(
                table_hbm.at[idx_d.at[pl.ds(ci * _C, _C)]], bufs[s], gsems[s],
                add=True)

        def wb(ci):
            s = ci % 2
            return pltpu.async_copy(
                bufs[s], out_hbm.at[pl.ds(base + ci * _C, _C)], wsems[s])

        wbd = [None] * _NCHUNK
        d = g1(0)
        for ci in range(_NCHUNK):
            d.wait()
            dg2 = g2(ci)
            if ci >= 1:
                wbd[ci - 1].wait()
            if ci + 1 < _NCHUNK:
                d = g1(ci + 1)
            dg2.wait()
            wbd[ci] = wb(ci)
        wbd[_NCHUNK - 1].wait()

    _GATHER_ADD_CACHE[key] = gather_add
    return gather_add


_E_BLK = 6400


def _tail_body(g_ref, eft_ref, w1e_ref, b1_ref, w2_ref, b2t_ref, out_ref):
    x = (g_ref[...]
         + lax.dot_general(eft_ref[...], w1e_ref[...],
                           (((0,), (0,)), ((), ())),
                           preferred_element_type=jnp.float32)
         + b1_ref[...])
    h = x * jax.nn.sigmoid(x)
    out_ref[...] = (lax.dot_general(w2_ref[...], h,
                                    (((0,), (1,)), ((), ())),
                                    preferred_element_type=jnp.float32)
                    + b2t_ref[...])


def _tail_body_aliased(buf_ref, g_ref, eft_ref, w1e_ref, b1_ref, w2_ref,
                       b2t_ref, out_ref):
    del buf_ref
    _tail_body(g_ref, eft_ref, w1e_ref, b1_ref, w2_ref, b2t_ref, out_ref)


def _mlp_tail(g, ef_t, w1e, b1, w2, b2t, buf, ebase):
    n = g.shape[0]
    nblk = n // _E_BLK
    blk0 = ebase // _E_BLK
    col_spec = pl.BlockSpec((D_EDGE, _E_BLK), lambda i: (0, blk0 + i))
    data_specs = [
        pl.BlockSpec((_E_BLK, D_HIDDEN), lambda i: (i, 0)),
        col_spec,
        pl.BlockSpec((D_EDGE, D_HIDDEN), lambda i: (0, 0)),
        pl.BlockSpec((1, D_HIDDEN), lambda i: (0, 0)),
        pl.BlockSpec((D_HIDDEN, D_EDGE), lambda i: (0, 0)),
        pl.BlockSpec((D_EDGE, 1), lambda i: (0, 0)),
    ]
    out_shape = jax.ShapeDtypeStruct((D_EDGE, N_EDGES), jnp.float32)
    if buf is None:
        return pl.pallas_call(
            _tail_body,
            grid=(nblk,),
            in_specs=data_specs,
            out_specs=col_spec,
            out_shape=out_shape,
        )(g, ef_t, w1e, b1, w2, b2t)
    return pl.pallas_call(
        _tail_body_aliased,
        grid=(nblk,),
        in_specs=[pl.BlockSpec(memory_space=pl.ANY)] + data_specs,
        out_specs=col_spec,
        out_shape=out_shape,
        input_output_aliases={0: 0},
    )(buf, g, ef_t, w1e, b1, w2, b2t)


def kernel(node_scalars, edge_index, edge_feats, W1, b1, W2, b2):
    ei = edge_index.astype(jnp.int32)
    src = ei[0]
    dst = ei[1]
    ef_t = edge_feats.T
    w1e = W1[2 * D_SCALAR:]
    b1r = b1.reshape(1, D_HIDDEN)
    b2t = b2.reshape(D_EDGE, 1)
    table = _node_tables(node_scalars, W1)
    buf = None
    ebase = 0
    for sz in _SPLITS:
        g_k = _gather_add_build(ebase, sz)(table, src, dst)
        buf = _mlp_tail(g_k, ef_t, w1e, b1r, W2, b2t, buf, ebase)
        ebase += sz
    return buf.T

# --- scband reference (transcript-rebuilt; emitter-appended) ---
"""Pipeline reference for scband-edge-update-27539330302130 (READ-ONLY COPY).

The authoritative reference and input builder live on the scoring server;
editing this copy changes nothing except your own understanding.
"""

import jax, jax.numpy as jnp
import numpy as np

N_NODES = 10000
N_EDGES = 320000
D_SCALAR = 128
D_EDGE = 16
D_HIDDEN = 128

def setup_inputs(seed: int = 0) -> dict:
    key = jax.random.key(seed)
    k1, k2, k3, k4, k5, k6, k7 = jax.random.split(key, 7)
    node_scalars = jax.random.normal(k1, (N_NODES, D_SCALAR), dtype=jnp.float32)
    edge_index = jax.random.randint(k2, (2, N_EDGES), 0, N_NODES, dtype=jnp.int64)
    edge_feats = jax.random.normal(k3, (N_EDGES, D_EDGE), dtype=jnp.float32)
    d_in = 2 * D_SCALAR + D_EDGE
    W1 = jax.random.normal(k4, (d_in, D_HIDDEN), dtype=jnp.float32) * (1.0 / np.sqrt(d_in))
    b1 = jnp.zeros((D_HIDDEN,), dtype=jnp.float32)
    W2 = jax.random.normal(k5, (D_HIDDEN, D_EDGE), dtype=jnp.float32) * (1.0 / np.sqrt(D_HIDDEN))
    b2 = jnp.zeros((D_EDGE,), dtype=jnp.float32)
    return {"node_scalars": node_scalars, "edge_index": edge_index, "edge_feats": edge_feats,
            "W1": W1, "b1": b1, "W2": W2, "b2": b2}

def reference(node_scalars, edge_index, edge_feats, W1, b1, W2, b2):
    src_idxs = edge_index[0]
    dst_idxs = edge_index[1]
    src_scalars = jnp.take(node_scalars, src_idxs, axis=0)
    dst_scalars = jnp.take(node_scalars, dst_idxs, axis=0)
    mlp_inputs = jnp.concatenate([src_scalars, dst_scalars, edge_feats], axis=-1)
    h = jax.nn.silu(mlp_inputs @ W1 + b1)
    new_edge_feats = h @ W2 + b2
    return new_edge_feats

if __name__ == "__main__":
    import jax
    _d = setup_inputs()
    print(jax.jit(kernel)(*tuple(_d.values())))

</pallas_src>

<mosaic_0001>
#map = affine_map<(d0, d1) -> (0, 0)>
#map1 = affine_map<(d0, d1) -> (0)>
module attributes {stable_mosaic.version = 14 : i64} {
  func.func @gather_add(%arg0: i32, %arg1: i32, %arg2: memref<20000x128xf32, #tpu.memory_space<hbm>>, %arg3: memref<320000xi32, #tpu.memory_space<hbm>>, %arg4: memref<320000xi32, #tpu.memory_space<hbm>>, %arg5: memref<64000x128xf32, #tpu.memory_space<hbm>>, %arg6: memref<2000xi32, #tpu.memory_space<vmem>>, %arg7: memref<2000xi32, #tpu.memory_space<vmem>>, %arg8: memref<400x128xf32, #tpu.memory_space<vmem>>, %arg9: memref<400x128xf32, #tpu.memory_space<vmem>>, %arg10: memref<!tpu.dma_semaphore, #tpu.memory_space<semaphore_mem>>, %arg11: memref<!tpu.dma_semaphore, #tpu.memory_space<semaphore_mem>>, %arg12: memref<!tpu.dma_semaphore, #tpu.memory_space<semaphore_mem>>, %arg13: memref<!tpu.dma_semaphore, #tpu.memory_space<semaphore_mem>>) attributes {dimension_semantics = [#tpu.dimension_semantics<core_parallel>, #tpu.dimension_semantics<subcore_parallel>], iteration_bounds = array<i64: 2, 16>, scalar_prefetch = 0 : i64, scratch_operands = 8 : i64, tpu.core_type = #tpu.core_type<sc_vector_subcore>, window_params = [{transform_indices = #map}, {transform_indices = #map1}, {transform_indices = #map1}, {transform_indices = #map}]} {
    %mul3A = arith.constant 2 : i32
    %mul3A_0 = arith.muli %arg1, %mul3A : i32
    %add3A = arith.addi %mul3A_0, %arg0 : i32
    %mul3A_1 = arith.constant 2000 : i32
    %mul3A_2 = arith.muli %add3A, %mul3A_1 : i32
    %multiple_of3A = tpu.assume_multiple %mul3A_2, 8 : i32
    %add3A_3 = arith.constant 256000 : i32
    %add3A_4 = arith.addi %add3A_3, %multiple_of3A : i32
    "tpu.region"() ({
      %run_scoped3A = tpu.sem_alloc : memref<!tpu.dma_semaphore, #tpu.memory_space<semaphore_mem>>
      %dma_start3A_160 = tpu.memref_slice %arg3[%add3A_4] : memref<320000xi32, #tpu.memory_space<hbm>> -> memref<2000xi32, #tpu.memory_space<hbm>>
      %dma_start3A_161 = tpu.memref_slice %arg3[%add3A_4] : memref<320000xi32, #tpu.memory_space<hbm>> -> memref<2000xi32, #tpu.memory_space<hbm>>
      tpu.enqueue_dma source(%dma_start3A_161 : memref<2000xi32, #tpu.memory_space<hbm>>) target(%arg6 : memref<2000xi32, #tpu.memory_space<vmem>>) target_semaphore(%run_scoped3A : memref<!tpu.dma_semaphore, #tpu.memory_space<semaphore_mem>>)
      %dma_wait3A_162 = tpu.memref_slice %arg3[%add3A_4] : memref<320000xi32, #tpu.memory_space<hbm>> -> memref<2000xi32, #tpu.memory_space<hbm>>
      %dma_wait3A_163 = tpu.memref_slice %arg3[%add3A_4] : memref<320000xi32, #tpu.memory_space<hbm>> -> memref<2000xi32, #tpu.memory_space<hbm>>
      tpu.wait_dma2 semaphore(%run_scoped3A : memref<!tpu.dma_semaphore, #tpu.memory_space<semaphore_mem>>) src(%dma_wait3A_163 : memref<2000xi32, #tpu.memory_space<hbm>>) dst(%arg6 : memref<2000xi32, #tpu.memory_space<vmem>>)
      tpu.yield
    }) : () -> ()
    %add3A_5 = arith.constant 256000 : i32
    %add3A_6 = arith.addi %add3A_5, %multiple_of3A : i32
    "tpu.region"() ({
      %run_scoped3A = tpu.sem_alloc : memref<!tpu.dma_semaphore, #tpu.memory_space<semaphore_mem>>
      %dma_start3A_160 = tpu.memref_slice %arg4[%add3A_6] : memref<320000xi32, #tpu.memory_space<hbm>> -> memref<2000xi32, #tpu.memory_space<hbm>>
      %dma_start3A_161 = tpu.memref_slice %arg4[%add3A_6] : memref<320000xi32, #tpu.memory_space<hbm>> -> memref<2000xi32, #tpu.memory_space<hbm>>
      tpu.enqueue_dma source(%dma_start3A_161 : memref<2000xi32, #tpu.memory_space<hbm>>) target(%arg7 : memref<2000xi32, #tpu.memory_space<vmem>>) target_semaphore(%run_scoped3A : memref<!tpu.dma_semaphore, #tpu.memory_space<semaphore_mem>>)
      %dma_wait3A_162 = tpu.memref_slice %arg4[%add3A_6] : memref<320000xi32, #tpu.memory_space<hbm>> -> memref<2000xi32, #tpu.memory_space<hbm>>
      %dma_wait3A_163 = tpu.memref_slice %arg4[%add3A_6] : memref<320000xi32, #tpu.memory_space<hbm>> -> memref<2000xi32, #tpu.memory_space<hbm>>
      tpu.wait_dma2 semaphore(%run_scoped3A : memref<!tpu.dma_semaphore, #tpu.memory_space<semaphore_mem>>) src(%dma_wait3A_163 : memref<2000xi32, #tpu.memory_space<hbm>>) dst(%arg7 : memref<2000xi32, #tpu.memory_space<vmem>>)
      tpu.yield
    }) : () -> ()
    %scan3A = arith.constant 0 : i32
    %scan3A_7 = arith.constant 0 : i32
    %scan3A_8 = arith.constant 125 : i32
    %scan3A_9 = arith.addi %scan3A_7, %scan3A_8 : i32
    %scan3A_10 = arith.constant 1 : i32
    scf.for %scan3A_160 = %scan3A_7 to %scan3A_9 step %scan3A_10  : i32 {
      %mul3A_161 = arith.constant 16 : i32
      %mul3A_162 = arith.muli %scan3A_160, %mul3A_161 : i32
      %get3A = arith.index_cast %mul3A_162 : i32 to index
      %get3A_163 = tpu.vector_load %arg7[%get3A] {strides = array<i32>} : memref<2000xi32, #tpu.memory_space<vmem>>, vector<16xi32>,
      %get3A_164 = vector.shape_cast %get3A_163 : vector<16xi32> to vector<16xi32>
      %add3A_165 = arith.constant 10000 : i32
      %add3A_166 = vector.broadcast %add3A_165 : i32 to vector<16xi32>
      %add3A_167 = arith.addi %get3A_164, %add3A_166 : vector<16xi32>
      %swap3A = arith.index_cast %mul3A_162 : i32 to index
      %swap3A_168 = tpu.vector_load %arg7[%swap3A] {strides = array<i32>} : memref<2000xi32, #tpu.memory_space<vmem>>, vector<16xi32>,
      %swap3A_169 = vector.shape_cast %swap3A_168 : vector<16xi32> to vector<16xi32>
      %swap3A_170 = vector.shape_cast %add3A_167 : vector<16xi32> to vector<16xi32>
      tpu.vector_store %arg7[%swap3A], %swap3A_170 {strides = array<i32>} : memref<2000xi32, #tpu.memory_space<vmem>>, vector<16xi32>,
    }
    %scan3A_11 = arith.constant 125 : i32
    %dma_start3A = arith.constant 0 : i32
    %dma_start3A_12 = tpu.memref_slice %arg6[%dma_start3A] : memref<2000xi32, #tpu.memory_space<vmem>> -> memref<400xi32, #tpu.memory_space<vmem>>
    %dma_start3A_13 = arith.constant 0 : i32
    %dma_start3A_14 = arith.constant 0 : i32
    %dma_start3A_15 = tpu.memref_slice %arg2[%dma_start3A_13, %dma_start3A_14] : memref<20000x128xf32, #tpu.memory_space<hbm>> -> memref<20000x128xf32, #tpu.memory_space<hbm>>
    tpu.enqueue_indirect_dma source(%dma_start3A_15 : memref<20000x128xf32, #tpu.memory_space<hbm>>) target(%arg8 : memref<400x128xf32, #tpu.memory_space<vmem>>) offsets(%dma_start3A_12 : memref<400xi32, #tpu.memory_space<vmem>>) semaphore(%arg10 : memref<!tpu.dma_semaphore, #tpu.memory_space<semaphore_mem>>)
    %dma_wait3A = arith.constant 0 : i32
    %dma_wait3A_16 = tpu.memref_slice %arg6[%dma_wait3A] : memref<2000xi32, #tpu.memory_space<vmem>> -> memref<400xi32, #tpu.memory_space<vmem>>
    %dma_wait3A_17 = arith.constant 0 : i32
    %dma_wait3A_18 = arith.constant 0 : i32
    %dma_wait3A_19 = tpu.memref_slice %arg2[%dma_wait3A_17, %dma_wait3A_18] : memref<20000x128xf32, #tpu.memory_space<hbm>> -> memref<20000x128xf32, #tpu.memory_space<hbm>>
    tpu.wait_indirect_dma semaphore(%arg10 : memref<!tpu.dma_semaphore, #tpu.memory_space<semaphore_mem>>) src(%dma_wait3A_19 : memref<20000x128xf32, #tpu.memory_space<hbm>>) dst(%arg8 : memref<400x128xf32, #tpu.memory_space<vmem>>)
    %dma_start3A_20 = arith.constant 0 : i32
    %dma_start3A_21 = tpu.memref_slice %arg7[%dma_start3A_20] : memref<2000xi32, #tpu.memory_space<vmem>> -> memref<400xi32, #tpu.memory_space<vmem>>
    %dma_start3A_22 = arith.constant 0 : i32
    %dma_start3A_23 = arith.constant 0 : i32
    %dma_start3A_24 = tpu.memref_slice %arg2[%dma_start3A_22, %dma_start3A_23] : memref<20000x128xf32, #tpu.memory_space<hbm>> -> memref<20000x128xf32, #tpu.memory_space<hbm>>
    tpu.enqueue_indirect_dma source(%dma_start3A_24 : memref<20000x128xf32, #tpu.memory_space<hbm>>) target(%arg8 : memref<400x128xf32, #tpu.memory_space<vmem>>) offsets(%dma_start3A_21 : memref<400xi32, #tpu.memory_space<vmem>>) semaphore(%arg10 : memref<!tpu.dma_semaphore, #tpu.memory_space<semaphore_mem>>) {add = true}
    %dma_start3A_25 = arith.constant 400 : i32
    %dma_start3A_26 = tpu.memref_slice %arg6[%dma_start3A_25] : memref<2000xi32, #tpu.memory_space<vmem>> -> memref<400xi32, #tpu.memory_space<vmem>>
    %dma_start3A_27 = arith.constant 0 : i32
    %dma_start3A_28 = arith.constant 0 : i32
    %dma_start3A_29 = tpu.memref_slice %arg2[%dma_start3A_27, %dma_start3A_28] : memref<20000x128xf32, #tpu.memory_space<hbm>> -> memref<20000x128xf32, #tpu.memory_space<hbm>>
    tpu.enqueue_indirect_dma source(%dma_start3A_29 : memref<20000x128xf32, #tpu.memory_space<hbm>>) target(%arg9 : memref<400x128xf32, #tpu.memory_space<vmem>>) offsets(%dma_start3A_26 : memref<400xi32, #tpu.memory_space<vmem>>) semaphore(%arg11 : memref<!tpu.dma_semaphore, #tpu.memory_space<semaphore_mem>>)
    %dma_wait3A_30 = arith.constant 0 : i32
    %dma_wait3A_31 = tpu.memref_slice %arg7[%dma_wait3A_30] : memref<2000xi32, #tpu.memory_space<vmem>> -> memref<400xi32, #tpu.memory_space<vmem>>
    %dma_wait3A_32 = arith.constant 0 : i32
    %dma_wait3A_33 = arith.constant 0 : i32
    %dma_wait3A_34 = tpu.memref_slice %arg2[%dma_wait3A_32, %dma_wait3A_33] : memref<20000x128xf32, #tpu.memory_space<hbm>> -> memref<20000x128xf32, #tpu.memory_space<hbm>>
    tpu.wait_indirect_dma semaphore(%arg10 : memref<!tpu.dma_semaphore, #tpu.memory_space<semaphore_mem>>) src(%dma_wait3A_34 : memref<20000x128xf32, #tpu.memory_space<hbm>>) dst(%arg8 : memref<400x128xf32, #tpu.memory_space<vmem>>)
    %add3A_35 = arith.constant 0 : i32
    %add3A_36 = arith.addi %multiple_of3A, %add3A_35 : i32
    %dma_start3A_37 = arith.constant 0 : i32
    %dma_start3A_38 = tpu.memref_slice %arg5[%add3A_36, %dma_start3A_37] : memref<64000x128xf32, #tpu.memory_space<hbm>> -> memref<400x128xf32, #tpu.memory_space<hbm>>
    %dma_start3A_39 = arith.constant 0 : i32
    %dma_start3A_40 = tpu.memref_slice %arg5[%add3A_36, %dma_start3A_39] : memref<64000x128xf32, #tpu.memory_space<hbm>> -> memref<400x128xf32, #tpu.memory_space<hbm>>
    tpu.enqueue_dma source(%arg8 : memref<400x128xf32, #tpu.memory_space<vmem>>) target(%dma_start3A_40 : memref<400x128xf32, #tpu.memory_space<hbm>>) target_semaphore(%arg12 : memref<!tpu.dma_semaphore, #tpu.memory_space<semaphore_mem>>)
    %dma_wait3A_41 = arith.constant 400 : i32
    %dma_wait3A_42 = tpu.memref_slice %arg6[%dma_wait3A_41] : memref<2000xi32, #tpu.memory_space<vmem>> -> memref<400xi32, #tpu.memory_space<vmem>>
    %dma_wait3A_43 = arith.constant 0 : i32
    %dma_wait3A_44 = arith.constant 0 : i32
    %dma_wait3A_45 = tpu.memref_slice %arg2[%dma_wait3A_43, %dma_wait3A_44] : memref<20000x128xf32, #tpu.memory_space<hbm>> -> memref<20000x128xf32, #tpu.memory_space<hbm>>
    tpu.wait_indirect_dma semaphore(%arg11 : memref<!tpu.dma_semaphore, #tpu.memory_space<semaphore_mem>>) src(%dma_wait3A_45 : memref<20000x128xf32, #tpu.memory_space<hbm>>) dst(%arg9 : memref<400x128xf32, #tpu.memory_space<vmem>>)
    %dma_start3A_46 = arith.constant 400 : i32
    %dma_start3A_47 = tpu.memref_slice %arg7[%dma_start3A_46] : memref<2000xi32, #tpu.memory_space<vmem>> -> memref<400xi32, #tpu.memory_space<vmem>>
    %dma_start3A_48 = arith.constant 0 : i32
    %dma_start3A_49 = arith.constant 0 : i32
    %dma_start3A_50 = tpu.memref_slice %arg2[%dma_start3A_48, %dma_start3A_49] : memref<20000x128xf32, #tpu.memory_space<hbm>> -> memref<20000x128xf32, #tpu.memory_space<hbm>>
    tpu.enqueue_indirect_dma source(%dma_start3A_50 : memref<20000x128xf32, #tpu.memory_space<hbm>>) target(%arg9 : memref<400x128xf32, #tpu.memory_space<vmem>>) offsets(%dma_start3A_47 : memref<400xi32, #tpu.memory_space<vmem>>) semaphore(%arg11 : memref<!tpu.dma_semaphore, #tpu.memory_space<semaphore_mem>>) {add = true}
    %dma_wait3A_51 = arith.constant 0 : i32
    %dma_wait3A_52 = tpu.memref_slice %arg5[%add3A_36, %dma_wait3A_51] : memref<64000x128xf32, #tpu.memory_space<hbm>> -> memref<400x128xf32, #tpu.memory_space<hbm>>
    %dma_wait3A_53 = arith.constant 0 : i32
    %dma_wait3A_54 = tpu.memref_slice %arg5[%add3A_36, %dma_wait3A_53] : memref<64000x128xf32, #tpu.memory_space<hbm>> -> memref<400x128xf32, #tpu.memory_space<hbm>>
    tpu.wait_dma2 semaphore(%arg12 : memref<!tpu.dma_semaphore, #tpu.memory_space<semaphore_mem>>) src(%arg8 : memref<400x128xf32, #tpu.memory_space<vmem>>) dst(%dma_wait3A_54 : memref<400x128xf32, #tpu.memory_space<hbm>>)
    %dma_start3A_55 = arith.constant 800 : i32
    %dma_start3A_56 = tpu.memref_slice %arg6[%dma_start3A_55] : memref<2000xi32, #tpu.memory_space<vmem>> -> memref<400xi32, #tpu.memory_space<vmem>>
    %dma_start3A_57 = arith.constant 0 : i32
    %dma_start3A_58 = arith.constant 0 : i32
    %dma_start3A_59 = tpu.memref_slice %arg2[%dma_start3A_57, %dma_start3A_58] : memref<20000x128xf32, #tpu.memory_space<hbm>> -> memref<20000x128xf32, #tpu.memory_space<hbm>>
    tpu.enqueue_indirect_dma source(%dma_start3A_59 : memref<20000x128xf32, #tpu.memory_space<hbm>>) target(%arg8 : memref<400x128xf32, #tpu.memory_space<vmem>>) offsets(%dma_start3A_56 : memref<400xi32, #tpu.memory_space<vmem>>) semaphore(%arg10 : memref<!tpu.dma_semaphore, #tpu.memory_space<semaphore_mem>>)
    %dma_wait3A_60 = arith.constant 400 : i32
    %dma_wait3A_61 = tpu.memref_slice %arg7[%dma_wait3A_60] : memref<2000xi32, #tpu.memory_space<vmem>> -> memref<400xi32, #tpu.memory_space<vmem>>
    %dma_wait3A_62 = arith.constant 0 : i32
    %dma_wait3A_63 = arith.constant 0 : i32
    %dma_wait3A_64 = tpu.memref_slice %arg2[%dma_wait3A_62, %dma_wait3A_63] : memref<20000x128xf32, #tpu.memory_space<hbm>> -> memref<20000x128xf32, #tpu.memory_space<hbm>>
    tpu.wait_indirect_dma semaphore(%arg11 : memref<!tpu.dma_semaphore, #tpu.memory_space<semaphore_mem>>) src(%dma_wait3A_64 : memref<20000x128xf32, #tpu.memory_space<hbm>>) dst(%arg9 : memref<400x128xf32, #tpu.memory_space<vmem>>)
    %add3A_65 = arith.constant 400 : i32
    %add3A_66 = arith.addi %multiple_of3A, %add3A_65 : i32
    %dma_start3A_67 = arith.constant 0 : i32
    %dma_start3A_68 = tpu.memref_slice %arg5[%add3A_66, %dma_start3A_67] : memref<64000x128xf32, #tpu.memory_space<hbm>> -> memref<400x128xf32, #tpu.memory_space<hbm>>
    %dma_start3A_69 = arith.constant 0 : i32
    %dma_start3A_70 = tpu.memref_slice %arg5[%add3A_66, %dma_start3A_69] : memref<64000x128xf32, #tpu.memory_space<hbm>> -> memref<400x128xf32, #tpu.memory_space<hbm>>
    tpu.enqueue_dma source(%arg9 : memref<400x128xf32, #tpu.memory_space<vmem>>) target(%dma_start3A_70 : memref<400x128xf32, #tpu.memory_space<hbm>>) target_semaphore(%arg13 : memref<!tpu.dma_semaphore, #tpu.memory_space<semaphore_mem>>)
    %dma_wait3A_71 = arith.constant 800 : i32
    %dma_wait3A_72 = tpu.memref_slice %arg6[%dma_wait3A_71] : memref<2000xi32, #tpu.memory_space<vmem>> -> memref<400xi32, #tpu.memory_space<vmem>>
    %dma_wait3A_73 = arith.constant 0 : i32
    %dma_wait3A_74 = arith.constant 0 : i32
    %dma_wait3A_75 = tpu.memref_slice %arg2[%dma_wait3A_73, %dma_wait3A_74] : memref<20000x128xf32, #tpu.memory_space<hbm>> -> memref<20000x128xf32, #tpu.memory_space<hbm>>
    tpu.wait_indirect_dma semaphore(%arg10 : memref<!tpu.dma_semaphore, #tpu.memory_space<semaphore_mem>>) src(%dma_wait3A_75 : memref<20000x128xf32, #tpu.memory_space<hbm>>) dst(%arg8 : memref<400x128xf32, #tpu.memory_space<vmem>>)
    %dma_start3A_76 = arith.constant 800 : i32
    %dma_start3A_77 = tpu.memref_slice %arg7[%dma_start3A_76] : memref<2000xi32, #tpu.memory_space<vmem>> -> memref<400xi32, #tpu.memory_space<vmem>>
    %dma_start3A_78 = arith.constant 0 : i32
    %dma_start3A_79 = arith.constant 0 : i32
    %dma_start3A_80 = tpu.memref_slice %arg2[%dma_start3A_78, %dma_start3A_79] : memref<20000x128xf32, #tpu.memory_space<hbm>> -> memref<20000x128xf32, #tpu.memory_space<hbm>>
    tpu.enqueue_indirect_dma source(%dma_start3A_80 : memref<20000x128xf32, #tpu.memory_space<hbm>>) target(%arg8 : memref<400x128xf32, #tpu.memory_space<vmem>>) offsets(%dma_start3A_77 : memref<400xi32, #tpu.memory_space<vmem>>) semaphore(%arg10 : memref<!tpu.dma_semaphore, #tpu.memory_space<semaphore_mem>>) {add = true}
    %dma_wait3A_81 = arith.constant 0 : i32
    %dma_wait3A_82 = tpu.memref_slice %arg5[%add3A_66, %dma_wait3A_81] : memref<64000x128xf32, #tpu.memory_space<hbm>> -> memref<400x128xf32, #tpu.memory_space<hbm>>
    %dma_wait3A_83 = arith.constant 0 : i32
    %dma_wait3A_84 = tpu.memref_slice %arg5[%add3A_66, %dma_wait3A_83] : memref<64000x128xf32, #tpu.memory_space<hbm>> -> memref<400x128xf32, #tpu.memory_space<hbm>>
    tpu.wait_dma2 semaphore(%arg13 : memref<!tpu.dma_semaphore, #tpu.memory_space<semaphore_mem>>) src(%arg9 : memref<400x128xf32, #tpu.memory_space<vmem>>) dst(%dma_wait3A_84 : memref<400x128xf32, #tpu.memory_space<hbm>>)
    %dma_start3A_85 = arith.constant 1200 : i32
    %dma_start3A_86 = tpu.memref_slice %arg6[%dma_start3A_85] : memref<2000xi32, #tpu.memory_space<vmem>> -> memref<400xi32, #tpu.memory_space<vmem>>
    %dma_start3A_87 = arith.constant 0 : i32
    %dma_start3A_88 = arith.constant 0 : i32
    %dma_start3A_89 = tpu.memref_slice %arg2[%dma_start3A_87, %dma_start3A_88] : memref<20000x128xf32, #tpu.memory_space<hbm>> -> memref<20000x128xf32, #tpu.memory_space<hbm>>
    tpu.enqueue_indirect_dma source(%dma_start3A_89 : memref<20000x128xf32, #tpu.memory_space<hbm>>) target(%arg9 : memref<400x128xf32, #tpu.memory_space<vmem>>) offsets(%dma_start3A_86 : memref<400xi32, #tpu.memory_space<vmem>>) semaphore(%arg11 : memref<!tpu.dma_semaphore, #tpu.memory_space<semaphore_mem>>)
    %dma_wait3A_90 = arith.constant 800 : i32
    %dma_wait3A_91 = tpu.memref_slice %arg7[%dma_wait3A_90] : memref<2000xi32, #tpu.memory_space<vmem>> -> memref<400xi32, #tpu.memory_space<vmem>>
    %dma_wait3A_92 = arith.constant 0 : i32
    %dma_wait3A_93 = arith.constant 0 : i32
    %dma_wait3A_94 = tpu.memref_slice %arg2[%dma_wait3A_92, %dma_wait3A_93] : memref<20000x128xf32, #tpu.memory_space<hbm>> -> memref<20000x128xf32, #tpu.memory_space<hbm>>
    tpu.wait_indirect_dma semaphore(%arg10 : memref<!tpu.dma_semaphore, #tpu.memory_space<semaphore_mem>>) src(%dma_wait3A_94 : memref<20000x128xf32, #tpu.memory_space<hbm>>) dst(%arg8 : memref<400x128xf32, #tpu.memory_space<vmem>>)
    %add3A_95 = arith.constant 800 : i32
    %add3A_96 = arith.addi %multiple_of3A, %add3A_95 : i32
    %dma_start3A_97 = arith.constant 0 : i32
    %dma_start3A_98 = tpu.memref_slice %arg5[%add3A_96, %dma_start3A_97] : memref<64000x128xf32, #tpu.memory_space<hbm>> -> memref<400x128xf32, #tpu.memory_space<hbm>>
    %dma_start3A_99 = arith.constant 0 : i32
    %dma_start3A_100 = tpu.memref_slice %arg5[%add3A_96, %dma_start3A_99] : memref<64000x128xf32, #tpu.memory_space<hbm>> -> memref<400x128xf32, #tpu.memory_space<hbm>>
    tpu.enqueue_dma source(%arg8 : memref<400x128xf32, #tpu.memory_space<vmem>>) target(%dma_start3A_100 : memref<400x128xf32, #tpu.memory_space<hbm>>) target_semaphore(%arg12 : memref<!tpu.dma_semaphore, #tpu.memory_space<semaphore_mem>>)
    %dma_wait3A_101 = arith.constant 1200 : i32
    %dma_wait3A_102 = tpu.memref_slice %arg6[%dma_wait3A_101] : memref<2000xi32, #tpu.memory_space<vmem>> -> memref<400xi32, #tpu.memory_space<vmem>>
    %dma_wait3A_103 = arith.constant 0 : i32
    %dma_wait3A_104 = arith.constant 0 : i32
    %dma_wait3A_105 = tpu.memref_slice %arg2[%dma_wait3A_103, %dma_wait3A_104] : memref<20000x128xf32, #tpu.memory_space<hbm>> -> memref<20000x128xf32, #tpu.memory_space<hbm>>
    tpu.wait_indirect_dma semaphore(%arg11 : memref<!tpu.dma_semaphore, #tpu.memory_space<semaphore_mem>>) src(%dma_wait3A_105 : memref<20000x128xf32, #tpu.memory_space<hbm>>) dst(%arg9 : memref<400x128xf32, #tpu.memory_space<vmem>>)
    %dma_start3A_106 = arith.constant 1200 : i32
    %dma_start3A_107 = tpu.memref_slice %arg7[%dma_start3A_106] : memref<2000xi32, #tpu.memory_space<vmem>> -> memref<400xi32, #tpu.memory_space<vmem>>
    %dma_start3A_108 = arith.constant 0 : i32
    %dma_start3A_109 = arith.constant 0 : i32
    %dma_start3A_110 = tpu.memref_slice %arg2[%dma_start3A_108, %dma_start3A_109] : memref<20000x128xf32, #tpu.memory_space<hbm>> -> memref<20000x128xf32, #tpu.memory_space<hbm>>
    tpu.enqueue_indirect_dma source(%dma_start3A_110 : memref<20000x128xf32, #tpu.memory_space<hbm>>) target(%arg9 : memref<400x128xf32, #tpu.memory_space<vmem>>) offsets(%dma_start3A_107 : memref<400xi32, #tpu.memory_space<vmem>>) semaphore(%arg11 : memref<!tpu.dma_semaphore, #tpu.memory_space<semaphore_mem>>) {add = true}
    %dma_wait3A_111 = arith.constant 0 : i32
    %dma_wait3A_112 = tpu.memref_slice %arg5[%add3A_96, %dma_wait3A_111] : memref<64000x128xf32, #tpu.memory_space<hbm>> -> memref<400x128xf32, #tpu.memory_space<hbm>>
    %dma_wait3A_113 = arith.constant 0 : i32
    %dma_wait3A_114 = tpu.memref_slice %arg5[%add3A_96, %dma_wait3A_113] : memref<64000x128xf32, #tpu.memory_space<hbm>> -> memref<400x128xf32, #tpu.memory_space<hbm>>
    tpu.wait_dma2 semaphore(%arg12 : memref<!tpu.dma_semaphore, #tpu.memory_space<semaphore_mem>>) src(%arg8 : memref<400x128xf32, #tpu.memory_space<vmem>>) dst(%dma_wait3A_114 : memref<400x128xf32, #tpu.memory_space<hbm>>)
    %dma_start3A_115 = arith.constant 1600 : i32
    %dma_start3A_116 = tpu.memref_slice %arg6[%dma_start3A_115] : memref<2000xi32, #tpu.memory_space<vmem>> -> memref<400xi32, #tpu.memory_space<vmem>>
    %dma_start3A_117 = arith.constant 0 : i32
    %dma_start3A_118 = arith.constant 0 : i32
    %dma_start3A_119 = tpu.memref_slice %arg2[%dma_start3A_117, %dma_start3A_118] : memref<20000x128xf32, #tpu.memory_space<hbm>> -> memref<20000x128xf32, #tpu.memory_space<hbm>>
    tpu.enqueue_indirect_dma source(%dma_start3A_119 : memref<20000x128xf32, #tpu.memory_space<hbm>>) target(%arg8 : memref<400x128xf32, #tpu.memory_space<vmem>>) offsets(%dma_start3A_116 : memref<400xi32, #tpu.memory_space<vmem>>) semaphore(%arg10 : memref<!tpu.dma_semaphore, #tpu.memory_space<semaphore_mem>>)
    %dma_wait3A_120 = arith.constant 1200 : i32
    %dma_wait3A_121 = tpu.memref_slice %arg7[%dma_wait3A_120] : memref<2000xi32, #tpu.memory_space<vmem>> -> memref<400xi32, #tpu.memory_space<vmem>>
    %dma_wait3A_122 = arith.constant 0 : i32
    %dma_wait3A_123 = arith.constant 0 : i32
    %dma_wait3A_124 = tpu.memref_slice %arg2[%dma_wait3A_122, %dma_wait3A_123] : memref<20000x128xf32, #tpu.memory_space<hbm>> -> memref<20000x128xf32, #tpu.memory_space<hbm>>
    tpu.wait_indirect_dma semaphore(%arg11 : memref<!tpu.dma_semaphore, #tpu.memory_space<semaphore_mem>>) src(%dma_wait3A_124 : memref<20000x128xf32, #tpu.memory_space<hbm>>) dst(%arg9 : memref<400x128xf32, #tpu.memory_space<vmem>>)
    %add3A_125 = arith.constant 1200 : i32
    %add3A_126 = arith.addi %multiple_of3A, %add3A_125 : i32
    %dma_start3A_127 = arith.constant 0 : i32
    %dma_start3A_128 = tpu.memref_slice %arg5[%add3A_126, %dma_start3A_127] : memref<64000x128xf32, #tpu.memory_space<hbm>> -> memref<400x128xf32, #tpu.memory_space<hbm>>
    %dma_start3A_129 = arith.constant 0 : i32
    %dma_start3A_130 = tpu.memref_slice %arg5[%add3A_126, %dma_start3A_129] : memref<64000x128xf32, #tpu.memory_space<hbm>> -> memref<400x128xf32, #tpu.memory_space<hbm>>
    tpu.enqueue_dma source(%arg9 : memref<400x128xf32, #tpu.memory_space<vmem>>) target(%dma_start3A_130 : memref<400x128xf32, #tpu.memory_space<hbm>>) target_semaphore(%arg13 : memref<!tpu.dma_semaphore, #tpu.memory_space<semaphore_mem>>)
    %dma_wait3A_131 = arith.constant 1600 : i32
    %dma_wait3A_132 = tpu.memref_slice %arg6[%dma_wait3A_131] : memref<2000xi32, #tpu.memory_space<vmem>> -> memref<400xi32, #tpu.memory_space<vmem>>
    %dma_wait3A_133 = arith.constant 0 : i32
    %dma_wait3A_134 = arith.constant 0 : i32
    %dma_wait3A_135 = tpu.memref_slice %arg2[%dma_wait3A_133, %dma_wait3A_134] : memref<20000x128xf32, #tpu.memory_space<hbm>> -> memref<20000x128xf32, #tpu.memory_space<hbm>>
    tpu.wait_indirect_dma semaphore(%arg10 : memref<!tpu.dma_semaphore, #tpu.memory_space<semaphore_mem>>) src(%dma_wait3A_135 : memref<20000x128xf32, #tpu.memory_space<hbm>>) dst(%arg8 : memref<400x128xf32, #tpu.memory_space<vmem>>)
    %dma_start3A_136 = arith.constant 1600 : i32
    %dma_start3A_137 = tpu.memref_slice %arg7[%dma_start3A_136] : memref<2000xi32, #tpu.memory_space<vmem>> -> memref<400xi32, #tpu.memory_space<vmem>>
    %dma_start3A_138 = arith.constant 0 : i32
    %dma_start3A_139 = arith.constant 0 : i32
    %dma_start3A_140 = tpu.memref_slice %arg2[%dma_start3A_138, %dma_start3A_139] : memref<20000x128xf32, #tpu.memory_space<hbm>> -> memref<20000x128xf32, #tpu.memory_space<hbm>>
    tpu.enqueue_indirect_dma source(%dma_start3A_140 : memref<20000x128xf32, #tpu.memory_space<hbm>>) target(%arg8 : memref<400x128xf32, #tpu.memory_space<vmem>>) offsets(%dma_start3A_137 : memref<400xi32, #tpu.memory_space<vmem>>) semaphore(%arg10 : memref<!tpu.dma_semaphore, #tpu.memory_space<semaphore_mem>>) {add = true}
    %dma_wait3A_141 = arith.constant 0 : i32
    %dma_wait3A_142 = tpu.memref_slice %arg5[%add3A_126, %dma_wait3A_141] : memref<64000x128xf32, #tpu.memory_space<hbm>> -> memref<400x128xf32, #tpu.memory_space<hbm>>
    %dma_wait3A_143 = arith.constant 0 : i32
    %dma_wait3A_144 = tpu.memref_slice %arg5[%add3A_126, %dma_wait3A_143] : memref<64000x128xf32, #tpu.memory_space<hbm>> -> memref<400x128xf32, #tpu.memory_space<hbm>>
    tpu.wait_dma2 semaphore(%arg13 : memref<!tpu.dma_semaphore, #tpu.memory_space<semaphore_mem>>) src(%arg9 : memref<400x128xf32, #tpu.memory_space<vmem>>) dst(%dma_wait3A_144 : memref<400x128xf32, #tpu.memory_space<hbm>>)
    %dma_wait3A_145 = arith.constant 1600 : i32
    %dma_wait3A_146 = tpu.memref_slice %arg7[%dma_wait3A_145] : memref<2000xi32, #tpu.memory_space<vmem>> -> memref<400xi32, #tpu.memory_space<vmem>>
    %dma_wait3A_147 = arith.constant 0 : i32
    %dma_wait3A_148 = arith.constant 0 : i32
    %dma_wait3A_149 = tpu.memref_slice %arg2[%dma_wait3A_147, %dma_wait3A_148] : memref<20000x128xf32, #tpu.memory_space<hbm>> -> memref<20000x128xf32, #tpu.memory_space<hbm>>
    tpu.wait_indirect_dma semaphore(%arg10 : memref<!tpu.dma_semaphore, #tpu.memory_space<semaphore_mem>>) src(%dma_wait3A_149 : memref<20000x128xf32, #tpu.memory_space<hbm>>) dst(%arg8 : memref<400x128xf32, #tpu.memory_space<vmem>>)
    %add3A_150 = arith.constant 1600 : i32
    %add3A_151 = arith.addi %multiple_of3A, %add3A_150 : i32
    %dma_start3A_152 = arith.constant 0 : i32
    %dma_start3A_153 = tpu.memref_slice %arg5[%add3A_151, %dma_start3A_152] : memref<64000x128xf32, #tpu.memory_space<hbm>> -> memref<400x128xf32, #tpu.memory_space<hbm>>
    %dma_start3A_154 = arith.constant 0 : i32
    %dma_start3A_155 = tpu.memref_slice %arg5[%add3A_151, %dma_start3A_154] : memref<64000x128xf32, #tpu.memory_space<hbm>> -> memref<400x128xf32, #tpu.memory_space<hbm>>
    tpu.enqueue_dma source(%arg8 : memref<400x128xf32, #tpu.memory_space<vmem>>) target(%dma_start3A_155 : memref<400x128xf32, #tpu.memory_space<hbm>>) target_semaphore(%arg12 : memref<!tpu.dma_semaphore, #tpu.memory_space<semaphore_mem>>)
    %dma_wait3A_156 = arith.constant 0 : i32
    %dma_wait3A_157 = tpu.memref_slice %arg5[%add3A_151, %dma_wait3A_156] : memref<64000x128xf32, #tpu.memory_space<hbm>> -> memref<400x128xf32, #tpu.memory_space<hbm>>
    %dma_wait3A_158 = arith.constant 0 : i32
    %dma_wait3A_159 = tpu.memref_slice %arg5[%add3A_151, %dma_wait3A_158] : memref<64000x128xf32, #tpu.memory_space<hbm>> -> memref<400x128xf32, #tpu.memory_space<hbm>>
    tpu.wait_dma2 semaphore(%arg12 : memref<!tpu.dma_semaphore, #tpu.memory_space<semaphore_mem>>) src(%arg8 : memref<400x128xf32, #tpu.memory_space<vmem>>) dst(%dma_wait3A_159 : memref<400x128xf32, #tpu.memory_space<hbm>>)
    return
  }
}

#map = affine_map<(d0, d1) -> (0, 0)>
#map1 = affine_map<(d0, d1) -> (0)>
module attributes {stable_mosaic.version = 14 : i64} {
  func.func @gather_add(%arg0: i32, %arg1: i32, %arg2: memref<20000x128xf32, #tpu.memory_space<hbm>>, %arg3: memref<320000xi32, #tpu.memory_space<hbm>>, %arg4: memref<320000xi32, #tpu.memory_space<hbm>>, %arg5: memref<256000x128xf32, #tpu.memory_space<hbm>>, %arg6: memref<8000xi32, #tpu.memory_space<vmem>>, %arg7: memref<8000xi32, #tpu.memory_space<vmem>>, %arg8: memref<400x128xf32, #tpu.memory_space<vmem>>, %arg9: memref<400x128xf32, #tpu.memory_space<vmem>>, %arg10: memref<!tpu.dma_semaphore, #tpu.memory_space<semaphore_mem>>, %arg11: memref<!tpu.dma_semaphore, #tpu.memory_space<semaphore_mem>>, %arg12: memref<!tpu.dma_semaphore, #tpu.memory_space<semaphore_mem>>, %arg13: memref<!tpu.dma_semaphore, #tpu.memory_space<semaphore_mem>>) attributes {dimension_semantics = [#tpu.dimension_semantics<core_parallel>, #tpu.dimension_semantics<subcore_parallel>], iteration_bounds = array<i64: 2, 16>, scalar_prefetch = 0 : i64, scratch_operands = 8 : i64, tpu.core_type = #tpu.core_type<sc_vector_subcore>, window_params = [{transform_indices = #map}, {transform_indices = #map1}, {transform_indices = #map1}, {transform_indices = #map}]} {
    %mul3A = arith.constant 2 : i32
    %mul3A_0 = arith.muli %arg1, %mul3A : i32
    %add3A = arith.addi %mul3A_0, %arg0 : i32
    %mul3A_1 = arith.constant 8000 : i32
    %mul3A_2 = arith.muli %add3A, %mul3A_1 : i32
    %multiple_of3A = tpu.assume_multiple %mul3A_2, 8 : i32
    %add3A_3 = arith.constant 0 : i32
    %add3A_4 = arith.addi %add3A_3, %multiple_of3A : i32
    "tpu.region"() ({
      %run_scoped3A = tpu.sem_alloc : memref<!tpu.dma_semaphore, #tpu.memory_space<semaphore_mem>>
      %dma_start3A_610 = tpu.memref_slice %arg3[%add3A_4] : memref<320000xi32, #tpu.memory_space<hbm>> -> memref<8000xi32, #tpu.memory_space<hbm>>
      %dma_start3A_611 = tpu.memref_slice %arg3[%add3A_4] : memref<320000xi32, #tpu.memory_space<hbm>> -> memref<8000xi32, #tpu.memory_space<hbm>>
      tpu.enqueue_dma source(%dma_start3A_611 : memref<8000xi32, #tpu.memory_space<hbm>>) target(%arg6 : memref<8000xi32, #tpu.memory_space<vmem>>) target_semaphore(%run_scoped3A : memref<!tpu.dma_semaphore, #tpu.memory_space<semaphore_mem>>)
      %dma_wait3A_612 = tpu.memref_slice %arg3[%add3A_4] : memref<320000xi32, #tpu.memory_space<hbm>> -> memref<8000xi32, #tpu.memory_space<hbm>>
      %dma_wait3A_613 = tpu.memref_slice %arg3[%add3A_4] : memref<320000xi32, #tpu.memory_space<hbm>> -> memref<8000xi32, #tpu.memory_space<hbm>>
      tpu.wait_dma2 semaphore(%run_scoped3A : memref<!tpu.dma_semaphore, #tpu.memory_space<semaphore_mem>>) src(%dma_wait3A_613 : memref<8000xi32, #tpu.memory_space<hbm>>) dst(%arg6 : memref<8000xi32, #tpu.memory_space<vmem>>)
      tpu.yield
    }) : () -> ()
    %add3A_5 = arith.constant 0 : i32
    %add3A_6 = arith.addi %add3A_5, %multiple_of3A : i32
    "tpu.region"() ({
      %run_scoped3A = tpu.sem_alloc : memref<!tpu.dma_semaphore, #tpu.memory_space<semaphore_mem>>
      %dma_start3A_610 = tpu.memref_slice %arg4[%add3A_6] : memref<320000xi32, #tpu.memory_space<hbm>> -> memref<8000xi32, #tpu.memory_space<hbm>>
      %dma_start3A_611 = tpu.memref_slice %arg4[%add3A_6] : memref<320000xi32, #tpu.memory_space<hbm>> -> memref<8000xi32, #tpu.memory_space<hbm>>
      tpu.enqueue_dma source(%dma_start3A_611 : memref<8000xi32, #tpu.memory_space<hbm>>) target(%arg7 : memref<8000xi32, #tpu.memory_space<vmem>>) target_semaphore(%run_scoped3A : memref<!tpu.dma_semaphore, #tpu.memory_space<semaphore_mem>>)
      %dma_wait3A_612 = tpu.memref_slice %arg4[%add3A_6] : memref<320000xi32, #tpu.memory_space<hbm>> -> memref<8000xi32, #tpu.memory_space<hbm>>
      %dma_wait3A_613 = tpu.memref_slice %arg4[%add3A_6] : memref<320000xi32, #tpu.memory_space<hbm>> -> memref<8000xi32, #tpu.memory_space<hbm>>
      tpu.wait_dma2 semaphore(%run_scoped3A : memref<!tpu.dma_semaphore, #tpu.memory_space<semaphore_mem>>) src(%dma_wait3A_613 : memref<8000xi32, #tpu.memory_space<hbm>>) dst(%arg7 : memref<8000xi32, #tpu.memory_space<vmem>>)
      tpu.yield
    }) : () -> ()
    %scan3A = arith.constant 0 : i32
    %scan3A_7 = arith.constant 0 : i32
    %scan3A_8 = arith.constant 500 : i32
    %scan3A_9 = arith.addi %scan3A_7, %scan3A_8 : i32
    %scan3A_10 = arith.constant 1 : i32
    scf.for %scan3A_610 = %scan3A_7 to %scan3A_9 step %scan3A_10  : i32 {
      %mul3A_611 = arith.constant 16 : i32
      %mul3A_612 = arith.muli %scan3A_610, %mul3A_611 : i32
      %get3A = arith.index_cast %mul3A_612 : i32 to index
      %get3A_613 = tpu.vector_load %arg7[%get3A] {strides = array<i32>} : memref<8000xi32, #tpu.memory_space<vmem>>, vector<16xi32>,
      %get3A_614 = vector.shape_cast %get3A_613 : vector<16xi32> to vector<16xi32>
      %add3A_615 = arith.constant 10000 : i32
      %add3A_616 = vector.broadcast %add3A_615 : i32 to vector<16xi32>
      %add3A_617 = arith.addi %get3A_614, %add3A_616 : vector<16xi32>
      %swap3A = arith.index_cast %mul3A_612 : i32 to index
      %swap3A_618 = tpu.vector_load %arg7[%swap3A] {strides = array<i32>} : memref<8000xi32, #tpu.memory_space<vmem>>, vector<16xi32>,
      %swap3A_619 = vector.shape_cast %swap3A_618 : vector<16xi32> to vector<16xi32>
      %swap3A_620 = vector.shape_cast %add3A_617 : vector<16xi32> to vector<16xi32>
      tpu.vector_store %arg7[%swap3A], %swap3A_620 {strides = array<i32>} : memref<8000xi32, #tpu.memory_space<vmem>>, vector<16xi32>,
    }
    %scan3A_11 = arith.constant 500 : i32
    %dma_start3A = arith.constant 0 : i32
    %dma_start3A_12 = tpu.memref_slice %arg6[%dma_start3A] : memref<8000xi32, #tpu.memory_space<vmem>> -> memref<400xi32, #tpu.memory_space<vmem>>
    %dma_start3A_13 = arith.constant 0 : i32
    %dma_start3A_14 = arith.constant 0 : i32
    %dma_start3A_15 = tpu.memref_slice %arg2[%dma_start3A_13, %dma_start3A_14] : memref<20000x128xf32, #tpu.memory_space<hbm>> -> memref<20000x128xf32, #tpu.memory_space<hbm>>
    tpu.enqueue_indirect_dma source(%dma_start3A_15 : memref<20000x128xf32, #tpu.memory_space<hbm>>) target(%arg8 : memref<400x128xf32, #tpu.memory_space<vmem>>) offsets(%dma_start3A_12 : memref<400xi32, #tpu.memory_space<vmem>>) semaphore(%arg10 : memref<!tpu.dma_semaphore, #tpu.memory_space<semaphore_mem>>)
    %dma_wait3A = arith.constant 0 : i32
    %dma_wait3A_16 = tpu.memref_slice %arg6[%dma_wait3A] : memref<8000xi32, #tpu.memory_space<vmem>> -> memref<400xi32, #tpu.memory_space<vmem>>
    %dma_wait3A_17 = arith.constant 0 : i32
    %dma_wait3A_18 = arith.constant 0 : i32
    %dma_wait3A_19 = tpu.memref_slice %arg2[%dma_wait3A_17, %dma_wait3A_18] : memref<20000x128xf32, #tpu.memory_space<hbm>> -> memref<20000x128xf32, #tpu.memory_space<hbm>>
    tpu.wait_indirect_dma semaphore(%arg10 : memref<!tpu.dma_semaphore, #tpu.memory_space<semaphore_mem>>) src(%dma_wait3A_19 : memref<20000x128xf32, #tpu.memory_space<hbm>>) dst(%arg8 : memref<400x128xf32, #tpu.memory_space<vmem>>)
    %dma_start3A_20 = arith.constant 0 : i32
    %dma_start3A_21 = tpu.memref_slice %arg7[%dma_start3A_20] : memref<8000xi32, #tpu.memory_space<vmem>> -> memref<400xi32, #tpu.memory_space<vmem>>
    %dma_start3A_22 = arith.constant 0 : i32
    %dma_start3A_23 = arith.constant 0 : i32
    %dma_start3A_24 = tpu.memref_slice %arg2[%dma_start3A_22, %dma_start3A_23] : memref<20000x128xf32, #tpu.memory_space<hbm>> -> memref<20000x128xf32, #tpu.memory_space<hbm>>
    tpu.enqueue_indirect_dma source(%dma_start3A_24 : memref<20000x128xf32, #tpu.memory_space<hbm>>) target(%arg8 : memref<400x128xf32, #tpu.memory_space<vmem>>) offsets(%dma_start3A_21 : memref<400xi32, #tpu.memory_space<vmem>>) semaphore(%arg10 : memref<!tpu.dma_semaphore, #tpu.memory_space<semaphore_mem>>) {add = true}
    %dma_start3A_25 = arith.constant 400 : i32
    %dma_start3A_26 = tpu.memref_slice %arg6[%dma_start3A_25] : memref<8000xi32, #tpu.memory_space<vmem>> -> memref<400xi32, #tpu.memory_space<vmem>>
    %dma_start3A_27 = arith.constant 0 : i32
    %dma_start3A_28 = arith.constant 0 : i32
    %dma_start3A_29 = tpu.memref_slice %arg2[%dma_start3A_27, %dma_start3A_28] : memref<20000x128xf32, #tpu.memory_space<hbm>> -> memref<20000x128xf32, #tpu.memory_space<hbm>>
    tpu.enqueue_indirect_dma source(%dma_start3A_29 : memref<20000x128xf32, #tpu.memory_space<hbm>>) target(%arg9 : memref<400x128xf32, #tpu.memory_space<vmem>>) offsets(%dma_start3A_26 : memref<400xi32, #tpu.memory_space<vmem>>) semaphore(%arg11 : memref<!tpu.dma_semaphore, #tpu.memory_space<semaphore_mem>>)
    %dma_wait3A_30 = arith.constant 0 : i32
    %dma_wait3A_31 = tpu.memref_slice %arg7[%dma_wait3A_30] : memref<8000xi32, #tpu.memory_space<vmem>> -> memref<400xi32, #tpu.memory_space<vmem>>
    %dma_wait3A_32 = arith.constant 0 : i32
    %dma_wait3A_33 = arith.constant 0 : i32
    %dma_wait3A_34 = tpu.memref_slice %arg2[%dma_wait3A_32, %dma_wait3A_33] : memref<20000x128xf32, #tpu.memory_space<hbm>> -> memref<20000x128xf32, #tpu.memory_space<hbm>>
    tpu.wait_indirect_dma semaphore(%arg10 : memref<!tpu.dma_semaphore, #tpu.memory_space<semaphore_mem>>) src(%dma_wait3A_34 : memref<20000x128xf32, #tpu.memory_space<hbm>>) dst(%arg8 : memref<400x128xf32, #tpu.memory_space<vmem>>)
    %add3A_35 = arith.constant 0 : i32
    %add3A_36 = arith.addi %multiple_of3A, %add3A_35 : i32
    %dma_start3A_37 = arith.constant 0 : i32
    %dma_start3A_38 = tpu.memref_slice %arg5[%add3A_36, %dma_start3A_37] : memref<256000x128xf32, #tpu.memory_space<hbm>> -> memref<400x128xf32, #tpu.memory_space<hbm>>
    %dma_start3A_39 = arith.constant 0 : i32
    %dma_start3A_40 = tpu.memref_slice %arg5[%add3A_36, %dma_start3A_39] : memref<256000x128xf32, #tpu.memory_space<hbm>> -> memref<400x128xf32, #tpu.memory_space<hbm>>
    tpu.enqueue_dma source(%arg8 : memref<400x128xf32, #tpu.memory_space<vmem>>) target(%dma_start3A_40 : memref<400x128xf32, #tpu.memory_space<hbm>>) target_semaphore(%arg12 : memref<!tpu.dma_semaphore, #tpu.memory_space<semaphore_mem>>)
    %dma_wait3A_41 = arith.constant 400 : i32
    %dma_wait3A_42 = tpu.memref_slice %arg6[%dma_wait3A_41] : memref<8000xi32, #tpu.memory_space<vmem>> -> memref<400xi32, #tpu.memory_space<vmem>>
    %dma_wait3A_43 = arith.constant 0 : i32
    %dma_wait3A_44 = arith.constant 0 : i32
    %dma_wait3A_45 = tpu.memref_slice %arg2[%dma_wait3A_43, %dma_wait3A_44] : memref<20000x128xf32, #tpu.memory_space<hbm>> -> memref<20000x128xf32, #tpu.memory_space<hbm>>
    tpu.wait_indirect_dma semaphore(%arg11 : memref<!tpu.dma_semaphore, #tpu.memory_space<semaphore_mem>>) src(%dma_wait3A_45 : memref<20000x128xf32, #tpu.memory_space<hbm>>) dst(%arg9 : memref<400x128xf32, #tpu.memory_space<vmem>>)
    %dma_start3A_46 = arith.constant 400 : i32
    %dma_start3A_47 = tpu.memref_slice %arg7[%dma_start3A_46] : memref<8000xi32, #tpu.memory_space<vmem>> -> memref<400xi32, #tpu.memory_space<vmem>>
    %dma_start3A_48 = arith.constant 0 : i32
    %dma_start3A_49 = arith.constant 0 : i32
    %dma_start3A_50 = tpu.memref_slice %arg2[%dma_start3A_48, %dma_start3A_49] : memref<20000x128xf32, #tpu.memory_space<hbm>> -> memref<20000x128xf32, #tpu.memory_space<hbm>>
    tpu.enqueue_indirect_dma source(%dma_start3A_50 : memref<20000x128xf32, #tpu.memory_space<hbm>>) target(%arg9 : memref<400x128xf32, #tpu.memory_space<vmem>>) offsets(%dma_start3A_47 : memref<400xi32, #tpu.memory_space<vmem>>) semaphore(%arg11 : memref<!tpu.dma_semaphore, #tpu.memory_space<semaphore_mem>>) {add = true}
    %dma_wait3A_51 = arith.constant 0 : i32
    %dma_wait3A_52 = tpu.memref_slice %arg5[%add3A_36, %dma_wait3A_51] : memref<256000x128xf32, #tpu.memory_space<hbm>> -> memref<400x128xf32, #tpu.memory_space<hbm>>
    %dma_wait3A_53 = arith.constant 0 : i32
    %dma_wait3A_54 = tpu.memref_slice %arg5[%add3A_36, %dma_wait3A_53] : memref<256000x128xf32, #tpu.memory_space<hbm>> -> memref<400x128xf32, #tpu.memory_space<hbm>>
    tpu.wait_dma2 semaphore(%arg12 : memref<!tpu.dma_semaphore, #tpu.memory_space<semaphore_mem>>) src(%arg8 : memref<400x128xf32, #tpu.memory_space<vmem>>) dst(%dma_wait3A_54 : memref<400x128xf32, #tpu.memory_space<hbm>>)
    %dma_start3A_55 = arith.constant 800 : i32
    %dma_start3A_56 = tpu.memref_slice %arg6[%dma_start3A_55] : memref<8000xi32, #tpu.memory_space<vmem>> -> memref<400xi32, #tpu.memory_space<vmem>>
    %dma_start3A_57 = arith.constant 0 : i32
    %dma_start3A_58 = arith.constant 0 : i32
    %dma_start3A_59 = tpu.memref_slice %arg2[%dma_start3A_57, %dma_start3A_58] : memref<20000x128xf32, #tpu.memory_space<hbm>> -> memref<20000x128xf32, #tpu.memory_space<hbm>>
    tpu.enqueue_indirect_dma source(%dma_start3A_59 : memref<20000x128xf32, #tpu.memory_space<hbm>>) target(%arg8 : memref<400x128xf32, #tpu.memory_space<vmem>>) offsets(%dma_start3A_56 : memref<400xi32, #tpu.memory_space<vmem>>) semaphore(%arg10 : memref<!tpu.dma_semaphore, #tpu.memory_space<semaphore_mem>>)
    %dma_wait3A_60 = arith.constant 400 : i32
    %dma_wait3A_61 = tpu.memref_slice %arg7[%dma_wait3A_60] : memref<8000xi32, #tpu.memory_space<vmem>> -> memref<400xi32, #tpu.memory_space<vmem>>
    %dma_wait3A_62 = arith.constant 0 : i32
    %dma_wait3A_63 = arith.constant 0 : i32
    %dma_wait3A_64 = tpu.memref_slice %arg2[%dma_wait3A_62, %dma_wait3A_63] : memref<20000x128xf32, #tpu.memory_space<hbm>> -> memref<20000x128xf32, #tpu.memory_space<hbm>>
    tpu.wait_indirect_dma semaphore(%arg11 : memref<!tpu.dma_semaphore, #tpu.memory_space<semaphore_mem>>) src(%dma_wait3A_64 : memref<20000x128xf32, #tpu.memory_space<hbm>>) dst(%arg9 : memref<400x128xf32, #tpu.memory_space<vmem>>)
    %add3A_65 = arith.constant 400 : i32
    %add3A_66 = arith.addi %multiple_of3A, %add3A_65 : i32
    %dma_start3A_67 = arith.constant 0 : i32
    %dma_start3A_68 = tpu.memref_slice %arg5[%add3A_66, %dma_start3A_67] : memref<256000x128xf32, #tpu.memory_space<hbm>> -> memref<400x128xf32, #tpu.memory_space<hbm>>
    %dma_start3A_69 = arith.constant 0 : i32
    %dma_start3A_70 = tpu.memref_slice %arg5[%add3A_66, %dma_start3A_69] : memref<256000x128xf32, #tpu.memory_space<hbm>> -> memref<400x128xf32, #tpu.memory_space<hbm>>
    tpu.enqueue_dma source(%arg9 : memref<400x128xf32, #tpu.memory_space<vmem>>) target(%dma_start3A_70 : memref<400x128xf32, #tpu.memory_space<hbm>>) target_semaphore(%arg13 : memref<!tpu.dma_semaphore, #tpu.memory_space<semaphore_mem>>)
    %dma_wait3A_71 = arith.constant 800 : i32
    %dma_wait3A_72 = tpu.memref_slice %arg6[%dma_wait3A_71] : memref<8000xi32, #tpu.memory_space<vmem>> -> memref<400xi32, #tpu.memory_space<vmem>>
    %dma_wait3A_73 = arith.constant 0 : i32
    %dma_wait3A_74 = arith.constant 0 : i32
    %dma_wait3A_75 = tpu.memref_slice %arg2[%dma_wait3A_73, %dma_wait3A_74] : memref<20000x128xf32, #tpu.memory_space<hbm>> -> memref<20000x128xf32, #tpu.memory_space<hbm>>
    tpu.wait_indirect_dma semaphore(%arg10 : memref<!tpu.dma_semaphore, #tpu.memory_space<semaphore_mem>>) src(%dma_wait3A_75 : memref<20000x128xf32, #tpu.memory_space<hbm>>) dst(%arg8 : memref<400x128xf32, #tpu.memory_space<vmem>>)
    %dma_start3A_76 = arith.constant 800 : i32
    %dma_start3A_77 = tpu.memref_slice %arg7[%dma_start3A_76] : memref<8000xi32, #tpu.memory_space<vmem>> -> memref<400xi32, #tpu.memory_space<vmem>>
    %dma_start3A_78 = arith.constant 0 : i32
    %dma_start3A_79 = arith.constant 0 : i32
    %dma_start3A_80 = tpu.memref_slice %arg2[%dma_start3A_78, %dma_start3A_79] : memref<20000x128xf32, #tpu.memory_space<hbm>> -> memref<20000x128xf32, #tpu.memory_space<hbm>>
    tpu.enqueue_indirect_dma source(%dma_start3A_80 : memref<20000x128xf32, #tpu.memory_space<hbm>>) target(%arg8 : memref<400x128xf32, #tpu.memory_space<vmem>>) offsets(%dma_start3A_77 : memref<400xi32, #tpu.memory_space<vmem>>) semaphore(%arg10 : memref<!tpu.dma_semaphore, #tpu.memory_space<semaphore_mem>>) {add = true}
    %dma_wait3A_81 = arith.constant 0 : i32
    %dma_wait3A_82 = tpu.memref_slice %arg5[%add3A_66, %dma_wait3A_81] : memref<256000x128xf32, #tpu.memory_space<hbm>> -> memref<400x128xf32, #tpu.memory_space<hbm>>
    %dma_wait3A_83 = arith.constant 0 : i32
    %dma_wait3A_84 = tpu.memref_slice %arg5[%add3A_66, %dma_wait3A_83] : memref<256000x128xf32, #tpu.memory_space<hbm>> -> memref<400x128xf32, #tpu.memory_space<hbm>>
    tpu.wait_dma2 semaphore(%arg13 : memref<!tpu.dma_semaphore, #tpu.memory_space<semaphore_mem>>) src(%arg9 : memref<400x128xf32, #tpu.memory_space<vmem>>) dst(%dma_wait3A_84 : memref<400x128xf32, #tpu.memory_space<hbm>>)
    %dma_start3A_85 = arith.constant 1200 : i32
    %dma_start3A_86 = tpu.memref_slice %arg6[%dma_start3A_85] : memref<8000xi32, #tpu.memory_space<vmem>> -> memref<400xi32, #tpu.memory_space<vmem>>
    %dma_start3A_87 = arith.constant 0 : i32
    %dma_start3A_88 = arith.constant 0 : i32
    %dma_start3A_89 = tpu.memref_slice %arg2[%dma_start3A_87, %dma_start3A_88] : memref<20000x128xf32, #tpu.memory_space<hbm>> -> memref<20000x128xf32, #tpu.memory_space<hbm>>
    tpu.enqueue_indirect_dma source(%dma_start3A_89 : memref<20000x128xf32, #tpu.memory_space<hbm>>) target(%arg9 : memref<400x128xf32, #tpu.memory_space<vmem>>) offsets(%dma_start3A_86 : memref<400xi32, #tpu.memory_space<vmem>>) semaphore(%arg11 : memref<!tpu.dma_semaphore, #tpu.memory_space<semaphore_mem>>)
    %dma_wait3A_90 = arith.constant 800 : i32
    %dma_wait3A_91 = tpu.memref_slice %arg7[%dma_wait3A_90] : memref<8000xi32, #tpu.memory_space<vmem>> -> memref<400xi32, #tpu.memory_space<vmem>>
    %dma_wait3A_92 = arith.constant 0 : i32
    %dma_wait3A_93 = arith.constant 0 : i32
    %dma_wait3A_94 = tpu.memref_slice %arg2[%dma_wait3A_92, %dma_wait3A_93] : memref<20000x128xf32, #tpu.memory_space<hbm>> -> memref<20000x128xf32, #tpu.memory_space<hbm>>
    tpu.wait_indirect_dma semaphore(%arg10 : memref<!tpu.dma_semaphore, #tpu.memory_space<semaphore_mem>>) src(%dma_wait3A_94 : memref<20000x128xf32, #tpu.memory_space<hbm>>) dst(%arg8 : memref<400x128xf32, #tpu.memory_space<vmem>>)
    %add3A_95 = arith.constant 800 : i32
    %add3A_96 = arith.addi %multiple_of3A, %add3A_95 : i32
    %dma_start3A_97 = arith.constant 0 : i32
    %dma_start3A_98 = tpu.memref_slice %arg5[%add3A_96, %dma_start3A_97] : memref<256000x128xf32, #tpu.memory_space<hbm>> -> memref<400x128xf32, #tpu.memory_space<hbm>>
    %dma_start3A_99 = arith.constant 0 : i32
    %dma_start3A_100 = tpu.memref_slice %arg5[%add3A_96, %dma_start3A_99] : memref<256000x128xf32, #tpu.memory_space<hbm>> -> memref<400x128xf32, #tpu.memory_space<hbm>>
    tpu.enqueue_dma source(%arg8 : memref<400x128xf32, #tpu.memory_space<vmem>>) target(%dma_start3A_100 : memref<400x128xf32, #tpu.memory_space<hbm>>) target_semaphore(%arg12 : memref<!tpu.dma_semaphore, #tpu.memory_space<semaphore_mem>>)
    %dma_wait3A_101 = arith.constant 1200 : i32
    %dma_wait3A_102 = tpu.memref_slice %arg6[%dma_wait3A_101] : memref<8000xi32, #tpu.memory_space<vmem>> -> memref<400xi32, #tpu.memory_space<vmem>>
    %dma_wait3A_103 = arith.constant 0 : i32
    %dma_wait3A_104 = arith.constant 0 : i32
    %dma_wait3A_105 = tpu.memref_slice %arg2[%dma_wait3A_103, %dma_wait3A_104] : memref<20000x128xf32, #tpu.memory_space<hbm>> -> memref<20000x128xf32, #tpu.memory_space<hbm>>
    tpu.wait_indirect_dma semaphore(%arg11 : memref<!tpu.dma_semaphore, #tpu.memory_space<semaphore_mem>>) src(%dma_wait3A_105 : memref<20000x128xf32, #tpu.memory_space<hbm>>) dst(%arg9 : memref<400x128xf32, #tpu.memory_space<vmem>>)
    %dma_start3A_106 = arith.constant 1200 : i32
    %dma_start3A_107 = tpu.memref_slice %arg7[%dma_start3A_106] : memref<8000xi32, #tpu.memory_space<vmem>> -> memref<400xi32, #tpu.memory_space<vmem>>
    %dma_start3A_108 = arith.constant 0 : i32
    %dma_start3A_109 = arith.constant 0 : i32
    %dma_start3A_110 = tpu.memref_slice %arg2[%dma_start3A_108, %dma_start3A_109] : memref<20000x128xf32, #tpu.memory_space<hbm>> -> memref<20000x128xf32, #tpu.memory_space<hbm>>
    tpu.enqueue_indirect_dma source(%dma_start3A_110 : memref<20000x128xf32, #tpu.memory_space<hbm>>) target(%arg9 : memref<400x128xf32, #tpu.memory_space<vmem>>) offsets(%dma_start3A_107 : memref<400xi32, #tpu.memory_space<vmem>>) semaphore(%arg11 : memref<!tpu.dma_semaphore, #tpu.memory_space<semaphore_mem>>) {add = true}
    %dma_wait3A_111 = arith.constant 0 : i32
    %dma_wait3A_112 = tpu.memref_slice %arg5[%add3A_96, %dma_wait3A_111] : memref<256000x128xf32, #tpu.memory_space<hbm>> -> memref<400x128xf32, #tpu.memory_space<hbm>>
    %dma_wait3A_113 = arith.constant 0 : i32
    %dma_wait3A_114 = tpu.memref_slice %arg5[%add3A_96, %dma_wait3A_113] : memref<256000x128xf32, #tpu.memory_space<hbm>> -> memref<400x128xf32, #tpu.memory_space<hbm>>
    tpu.wait_dma2 semaphore(%arg12 : memref<!tpu.dma_semaphore, #tpu.memory_space<semaphore_mem>>) src(%arg8 : memref<400x128xf32, #tpu.memory_space<vmem>>) dst(%dma_wait3A_114 : memref<400x128xf32, #tpu.memory_space<hbm>>)
    %dma_start3A_115 = arith.constant 1600 : i32
    %dma_start3A_116 = tpu.memref_slice %arg6[%dma_start3A_115] : memref<8000xi32, #tpu.memory_space<vmem>> -> memref<400xi32, #tpu.memory_space<vmem>>
    %dma_start3A_117 = arith.constant 0 : i32
    %dma_start3A_118 = arith.constant 0 : i32
    %dma_start3A_119 = tpu.memref_slice %arg2[%dma_start3A_117, %dma_start3A_118] : memref<20000x128xf32, #tpu.memory_space<hbm>> -> memref<20000x128xf32, #tpu.memory_space<hbm>>
    tpu.enqueue_indirect_dma source(%dma_start3A_119 : memref<20000x128xf32, #tpu.memory_space<hbm>>) target(%arg8 : memref<400x128xf32, #tpu.memory_space<vmem>>) offsets(%dma_start3A_116 : memref<400xi32, #tpu.memory_space<vmem>>) semaphore(%arg10 : memref<!tpu.dma_semaphore, #tpu.memory_space<semaphore_mem>>)
    %dma_wait3A_120 = arith.constant 1200 : i32
    %dma_wait3A_121 = tpu.memref_slice %arg7[%dma_wait3A_120] : memref<8000xi32, #tpu.memory_space<vmem>> -> memref<400xi32, #tpu.memory_space<vmem>>
    %dma_wait3A_122 = arith.constant 0 : i32
    %dma_wait3A_123 = arith.constant 0 : i32
    %dma_wait3A_124 = tpu.memref_slice %arg2[%dma_wait3A_122, %dma_wait3A_123] : memref<20000x128xf32, #tpu.memory_space<hbm>> -> memref<20000x128xf32, #tpu.memory_space<hbm>>
    tpu.wait_indirect_dma semaphore(%arg11 : memref<!tpu.dma_semaphore, #tpu.memory_space<semaphore_mem>>) src(%dma_wait3A_124 : memref<20000x128xf32, #tpu.memory_space<hbm>>) dst(%arg9 : memref<400x128xf32, #tpu.memory_space<vmem>>)
    %add3A_125 = arith.constant 1200 : i32
    %add3A_126 = arith.addi %multiple_of3A, %add3A_125 : i32
    %dma_start3A_127 = arith.constant 0 : i32
    %dma_start3A_128 = tpu.memref_slice %arg5[%add3A_126, %dma_start3A_127] : memref<256000x128xf32, #tpu.memory_space<hbm>> -> memref<400x128xf32, #tpu.memory_space<hbm>>
    %dma_start3A_129 = arith.constant 0 : i32
    %dma_start3A_130 = tpu.memref_slice %arg5[%add3A_126, %dma_start3A_129] : memref<256000x128xf32, #tpu.memory_space<hbm>> -> memref<400x128xf32, #tpu.memory_space<hbm>>
    tpu.enqueue_dma source(%arg9 : memref<400x128xf32, #tpu.memory_space<vmem>>) target(%dma_start3A_130 : memref<400x128xf32, #tpu.memory_space<hbm>>) target_semaphore(%arg13 : memref<!tpu.dma_semaphore, #tpu.memory_space<semaphore_mem>>)
    %dma_wait3A_131 = arith.constant 1600 : i32
    %dma_wait3A_132 = tpu.memref_slice %arg6[%dma_wait3A_131] : memref<8000xi32, #tpu.memory_space<vmem>> -> memref<400xi32, #tpu.memory_space<vmem>>
    %dma_wait3A_133 = arith.constant 0 : i32
    %dma_wait3A_134 = arith.constant 0 : i32
    %dma_wait3A_135 = tpu.memref_slice %arg2[%dma_wait3A_133, %dma_wait3A_134] : memref<20000x128xf32, #tpu.memory_space<hbm>> -> memref<20000x128xf32, #tpu.memory_space<hbm>>
    tpu.wait_indirect_dma semaphore(%arg10 : memref<!tpu.dma_semaphore, #tpu.memory_space<semaphore_mem>>) src(%dma_wait3A_135 : memref<20000x128xf32, #tpu.memory_space<hbm>>) dst(%arg8 : memref<400x128xf32, #tpu.memory_space<vmem>>)
    %dma_start3A_136 = arith.constant 1600 : i32
    %dma_start3A_137 = tpu.memref_slice %arg7[%dma_start3A_136] : memref<8000xi32, #tpu.memory_space<vmem>> -> memref<400xi32, #tpu.memory_space<vmem>>
    %dma_start3A_138 = arith.constant 0 : i32
    %dma_start3A_139 = arith.constant 0 : i32
    %dma_start3A_140 = tpu.memref_slice %arg2[%dma_start3A_138, %dma_start3A_139] : memref<20000x128xf32, #tpu.memory_space<hbm>> -> memref<20000x128xf32, #tpu.memory_space<hbm>>
    tpu.enqueue_indirect_dma source(%dma_start3A_140 : memref<20000x128xf32, #tpu.memory_space<hbm>>) target(%arg8 : memref<400x128xf32, #tpu.memory_space<vmem>>) offsets(%dma_start3A_137 : memref<400xi32, #tpu.memory_space<vmem>>) semaphore(%arg10 : memref<!tpu.dma_semaphore, #tpu.memory_space<semaphore_mem>>) {add = true}
    %dma_wait3A_141 = arith.constant 0 : i32
    %dma_wait3A_142 = tpu.memref_slice %arg5[%add3A_126, %dma_wait3A_141] : memref<256000x128xf32, #tpu.memory_space<hbm>> -> memref<400x128xf32, #tpu.memory_space<hbm>>
    %dma_wait3A_143 = arith.constant 0 : i32
    %dma_wait3A_144 = tpu.memref_slice %arg5[%add3A_126, %dma_wait3A_143] : memref<256000x128xf32, #tpu.memory_space<hbm>> -> memref<400x128xf32, #tpu.memory_space<hbm>>
    tpu.wait_dma2 semaphore(%arg13 : memref<!tpu.dma_semaphore, #tpu.memory_space<semaphore_mem>>) src(%arg9 : memref<400x128xf32, #tpu.memory_space<vmem>>) dst(%dma_wait3A_144 : memref<400x128xf32, #tpu.memory_space<hbm>>)
    %dma_start3A_145 = arith.constant 2000 : i32
    %dma_start3A_146 = tpu.memref_slice %arg6[%dma_start3A_145] : memref<8000xi32, #tpu.memory_space<vmem>> -> memref<400xi32, #tpu.memory_space<vmem>>
    %dma_start3A_147 = arith.constant 0 : i32
    %dma_start3A_148 = arith.constant 0 : i32
    %dma_start3A_149 = tpu.memref_slice %arg2[%dma_start3A_147, %dma_start3A_148] : memref<20000x128xf32, #tpu.memory_space<hbm>> -> memref<20000x128xf32, #tpu.memory_space<hbm>>
    tpu.enqueue_indirect_dma source(%dma_start3A_149 : memref<20000x128xf32, #tpu.memory_space<hbm>>) target(%arg9 : memref<400x128xf32, #tpu.memory_space<vmem>>) offsets(%dma_start3A_146 : memref<400xi32, #tpu.memory_space<vmem>>) semaphore(%arg11 : memref<!tpu.dma_semaphore, #tpu.memory_space<semaphore_mem>>)
    %dma_wait3A_150 = arith.constant 1600 : i32
    %dma_wait3A_151 = tpu.memref_slice %arg7[%dma_wait3A_150] : memref<8000xi32, #tpu.memory_space<vmem>> -> memref<400xi32, #tpu.memory_space<vmem>>
    %dma_wait3A_152 = arith.constant 0 : i32
    %dma_wait3A_153 = arith.constant 0 : i32
    %dma_wait3A_154 = tpu.memref_slice %arg2[%dma_wait3A_152, %dma_wait3A_153] : memref<20000x128xf32, #tpu.memory_space<hbm>> -> memref<20000x128xf32, #tpu.memory_space<hbm>>
    tpu.wait_indirect_dma semaphore(%arg10 : memref<!tpu.dma_semaphore, #tpu.memory_space<semaphore_mem>>) src(%dma_wait3A_154 : memref<20000x128xf32, #tpu.memory_space<hbm>>) dst(%arg8 : memref<400x128xf32, #tpu.memory_space<vmem>>)
    %add3A_155 = arith.constant 1600 : i32
    %add3A_156 = arith.addi %multiple_of3A, %add3A_155 : i32
    %dma_start3A_157 = arith.constant 0 : i32
    %dma_start3A_158 = tpu.memref_slice %arg5[%add3A_156, %dma_start3A_157] : memref<256000x128xf32, #tpu.memory_space<hbm>> -> memref<400x128xf32, #tpu.memory_space<hbm>>
    %dma_start3A_159 = arith.constant 0 : i32
    %dma_start3A_160 = tpu.memref_slice %arg5[%add3A_156, %dma_start3A_159] : memref<256000x128xf32, #tpu.memory_space<hbm>> -> memref<400x128xf32, #tpu.memory_space<hbm>>
    tpu.enqueue_dma source(%arg8 : memref<400x128xf32, #tpu.memory_space<vmem>>) target(%dma_start3A_160 : memref<400x128xf32, #tpu.memory_space<hbm>>) target_semaphore(%arg12 : memref<!tpu.dma_semaphore, #tpu.memory_space<semaphore_mem>>)
    %dma_wait3A_161 = arith.constant 2000 : i32
    %dma_wait3A_162 = tpu.memref_slice %arg6[%dma_wait3A_161] : memref<8000xi32, #tpu.memory_space<vmem>> -> memref<400xi32, #tpu.memory_space<vmem>>
    %dma_wait3A_163 = arith.constant 0 : i32
    %dma_wait3A_164 = arith.constant 0 : i32
    %dma_wait3A_165 = tpu.memref_slice %arg2[%dma_wait3A_163, %dma_wait3A_164] : memref<20000x128xf32, #tpu.memory_space<hbm>> -> memref<20000x128xf32, #tpu.memory_space<hbm>>
    tpu.wait_indirect_dma semaphore(%arg11 : memref<!tpu.dma_semaphore, #tpu.memory_space<semaphore_mem>>) src(%dma_wait3A_165 : memref<20000x128xf32, #tpu.memory_space<hbm>>) dst(%arg9 : memref<400x128xf32, #tpu.memory_space<vmem>>)
    %dma_start3A_166 = arith.constant 2000 : i32
    %dma_start3A_167 = tpu.memref_slice %arg7[%dma_start3A_166] : memref<8000xi32, #tpu.memory_space<vmem>> -> memref<400xi32, #tpu.memory_space<vmem>>
    %dma_start3A_168 = arith.constant 0 : i32
    %dma_start3A_169 = arith.constant 0 : i32
    %dma_start3A_170 = tpu.memref_slice %arg2[%dma_start3A_168, %dma_start3A_169] : memref<20000x128xf32, #tpu.memory_space<hbm>> -> memref<20000x128xf32, #tpu.memory_space<hbm>>
    tpu.enqueue_indirect_dma source(%dma_start3A_170 : memref<20000x128xf32, #tpu.memory_space<hbm>>) target(%arg9 : memref<400x128xf32, #tpu.memory_space<vmem>>) offsets(%dma_start3A_167 : memref<400xi32, #tpu.memory_space<vmem>>) semaphore(%arg11 : memref<!tpu.dma_semaphore, #tpu.memory_space<semaphore_mem>>) {add = true}
    %dma_wait3A_171 = arith.constant 0 : i32
    %dma_wait3A_172 = tpu.memref_slice %arg5[%add3A_156, %dma_wait3A_171] : memref<256000x128xf32, #tpu.memory_space<hbm>> -> memref<400x128xf32, #tpu.memory_space<hbm>>
    %dma_wait3A_173 = arith.constant 0 : i32
    %dma_wait3A_174 = tpu.memref_slice %arg5[%add3A_156, %dma_wait3A_173] : memref<256000x128xf32, #tpu.memory_space<hbm>> -> memref<400x128xf32, #tpu.memory_space<hbm>>
    tpu.wait_dma2 semaphore(%arg12 : memref<!tpu.dma_semaphore, #tpu.memory_space<semaphore_mem>>) src(%arg8 : memref<400x128xf32, #tpu.memory_space<vmem>>) dst(%dma_wait3A_174 : memref<400x128xf32, #tpu.memory_space<hbm>>)
    %dma_start3A_175 = arith.constant 2400 : i32
    %dma_start3A_176 = tpu.memref_slice %arg6[%dma_start3A_175] : memref<8000xi32, #tpu.memory_space<vmem>> -> memref<400xi32, #tpu.memory_space<vmem>>
    %dma_start3A_177 = arith.constant 0 : i32
    %dma_start3A_178 = arith.constant 0 : i32
    %dma_start3A_179 = tpu.memref_slice %arg2[%dma_start3A_177, %dma_start3A_178] : memref<20000x128xf32, #tpu.memory_space<hbm>> -> memref<20000x128xf32, #tpu.memory_space<hbm>>
    tpu.enqueue_indirect_dma source(%dma_start3A_179 : memref<20000x128xf32, #tpu.memory_space<hbm>>) target(%arg8 : memref<400x128xf32, #tpu.memory_space<vmem>>) offsets(%dma_start3A_176 : memref<400xi32, #tpu.memory_space<vmem>>) semaphore(%arg10 : memref<!tpu.dma_semaphore, #tpu.memory_space<semaphore_mem>>)
    %dma_wait3A_180 = arith.constant 2000 : i32
    %dma_wait3A_181 = tpu.memref_slice %arg7[%dma_wait3A_180] : memref<8000xi32, #tpu.memory_space<vmem>> -> memref<400xi32, #tpu.memory_space<vmem>>
    %dma_wait3A_182 = arith.constant 0 : i32
    %dma_wait3A_183 = arith.constant 0 : i32
    %dma_wait3A_184 = tpu.memref_slice %arg2[%dma_wait3A_182, %dma_wait3A_183] : memref<20000x128xf32, #tpu.memory_space<hbm>> -> memref<20000x128xf32, #tpu.memory_space<hbm>>
    tpu.wait_indirect_dma semaphore(%arg11 : memref<!tpu.dma_semaphore, #tpu.memory_space<semaphore_mem>>) src(%dma_wait3A_184 : memref<20000x128xf32, #tpu.memory_space<hbm>>) dst(%arg9 : memref<400x128xf32, #tpu.memory_space<vmem>>)
    %add3A_185 = arith.constant 2000 : i32
    %add3A_186 = arith.addi %multiple_of3A, %add3A_185 : i32
    %dma_start3A_187 = arith.constant 0 : i32
    %dma_start3A_188 = tpu.memref_slice %arg5[%add3A_186, %dma_start3A_187] : memref<256000x128xf32, #tpu.memory_space<hbm>> -> memref<400x128xf32, #tpu.memory_space<hbm>>
    %dma_start3A_189 = arith.constant 0 : i32
    %dma_start3A_190 = tpu.memref_slice %arg5[%add3A_186, %dma_start3A_189] : memref<256000x128xf32, #tpu.memory_space<hbm>> -> memref<400x128xf32, #tpu.memory_space<hbm>>
    tpu.enqueue_dma source(%arg9 : memref<400x128xf32, #tpu.memory_space<vmem>>) target(%dma_start3A_190 : memref<400x128xf32, #tpu.memory_space<hbm>>) target_semaphore(%arg13 : memref<!tpu.dma_semaphore, #tpu.memory_space<semaphore_mem>>)
    %dma_wait3A_191 = arith.constant 2400 : i32
    %dma_wait3A_192 = tpu.memref_slice %arg6[%dma_wait3A_191] : memref<8000xi32, #tpu.memory_space<vmem>> -> memref<400xi32, #tpu.memory_space<vmem>>
    %dma_wait3A_193 = arith.constant 0 : i32
    %dma_wait3A_194 = arith.constant 0 : i32
    %dma_wait3A_195 = tpu.memref_slice %arg2[%dma_wait3A_193, %dma_wait3A_194] : memref<20000x128xf32, #tpu.memory_space<hbm>> -> memref<20000x128xf32, #tpu.memory_space<hbm>>
    tpu.wait_indirect_dma semaphore(%arg10 : memref<!tpu.dma_semaphore, #tpu.memory_space<semaphore_mem>>) src(%dma_wait3A_195 : memref<20000x128xf32, #tpu.memory_space<hbm>>) dst(%arg8 : memref<400x128xf32, #tpu.memory_space<vmem>>)
    %dma_start3A_196 = arith.constant 2400 : i32
    %dma_start3A_197 = tpu.memref_slice %arg7[%dma_start3A_196] : memref<8000xi32, #tpu.memory_space<vmem>> -> memref<400xi32, #tpu.memory_space<vmem>>
    %dma_start3A_198 = arith.constant 0 : i32
    %dma_start3A_199 = arith.constant 0 : i32
    %dma_start3A_200 = tpu.memref_slice %arg2[%dma_start3A_198, %dma_start3A_199] : memref<20000x128xf32, #tpu.memory_space<hbm>> -> memref<20000x128xf32, #tpu.memory_space<hbm>>
    tpu.enqueue_indirect_dma source(%dma_start3A_200 : memref<20000x128xf32, #tpu.memory_space<hbm>>) target(%arg8 : memref<400x128xf32, #tpu.memory_space<vmem>>) offsets(%dma_start3A_197 : memref<400xi32, #tpu.memory_space<vmem>>) semaphore(%arg10 : memref<!tpu.dma_semaphore, #tpu.memory_space<semaphore_mem>>) {add = true}
    %dma_wait3A_201 = arith.constant 0 : i32
    %dma_wait3A_202 = tpu.memref_slice %arg5[%add3A_186, %dma_wait3A_201] : memref<256000x128xf32, #tpu.memory_space<hbm>> -> memref<400x128xf32, #tpu.memory_space<hbm>>
    %dma_wait3A_203 = arith.constant 0 : i32
    %dma_wait3A_204 = tpu.memref_slice %arg5[%add3A_186, %dma_wait3A_203] : memref<256000x128xf32, #tpu.memory_space<hbm>> -> memref<400x128xf32, #tpu.memory_space<hbm>>
    tpu.wait_dma2 semaphore(%arg13 : memref<!tpu.dma_semaphore, #tpu.memory_space<semaphore_mem>>) src(%arg9 : memref<400x128xf32, #tpu.memory_space<vmem>>) dst(%dma_wait3A_204 : memref<400x128xf32, #tpu.memory_space<hbm>>)
    %dma_start3A_205 = arith.constant 2800 : i32
    %dma_start3A_206 = tpu.memref_slice %arg6[%dma_start3A_205] : memref<8000xi32, #tpu.memory_space<vmem>> -> memref<400xi32, #tpu.memory_space<vmem>>
    %dma_start3A_207 = arith.constant 0 : i32
    %dma_start3A_208 = arith.constant 0 : i32
    %dma_start3A_209 = tpu.memref_slice %arg2[%dma_start3A_207, %dma_start3A_208] : memref<20000x128xf32, #tpu.memory_space<hbm>> -> memref<20000x128xf32, #tpu.memory_space<hbm>>
    tpu.enqueue_indirect_dma source(%dma_start3A_209 : memref<20000x128xf32, #tpu.memory_space<hbm>>) target(%arg9 : memref<400x128xf32, #tpu.memory_space<vmem>>) offsets(%dma_start3A_206 : memref<400xi32, #tpu.memory_space<vmem>>) semaphore(%arg11 : memref<!tpu.dma_semaphore, #tpu.memory_space<semaphore_mem>>)
    %dma_wait3A_210 = arith.constant 2400 : i32
    %dma_wait3A_211 = tpu.memref_slice %arg7[%dma_wait3A_210] : memref<8000xi32, #tpu.memory_space<vmem>> -> memref<400xi32, #tpu.memory_space<vmem>>
    %dma_wait3A_212 = arith.constant 0 : i32
    %dma_wait3A_213 = arith.constant 0 : i32
    %dma_wait3A_214 = tpu.memref_slice %arg2[%dma_wait3A_212, %dma_wait3A_213] : memref<20000x128xf32, #tpu.memory_space<hbm>> -> memref<20000x128xf32, #tpu.memory_space<hbm>>
    tpu.wait_indirect_dma semaphore(%arg10 : memref<!tpu.dma_semaphore, #tpu.memory_space<semaphore_mem>>) src(%dma_wait3A_214 : memref<20000x128xf32, #tpu.memory_space<hbm>>) dst(%arg8 : memref<400x128xf32, #tpu.memory_space<vmem>>)
    %add3A_215 = arith.constant 2400 : i32
    %add3A_216 = arith.addi %multiple_of3A, %add3A_215 : i32
    %dma_start3A_217 = arith.constant 0 : i32
    %dma_start3A_218 = tpu.memref_slice %arg5[%add3A_216, %dma_start3A_217] : memref<256000x128xf32, #tpu.memory_space<hbm>> -> memref<400x128xf32, #tpu.memory_space<hbm>>
    %dma_start3A_219 = arith.constant 0 : i32
    %dma_start3A_220 = tpu.memref_slice %arg5[%add3A_216, %dma_start3A_219] : memref<256000x128xf32, #tpu.memory_space<hbm>> -> memref<400x128xf32, #tpu.memory_space<hbm>>
    tpu.enqueue_dma source(%arg8 : memref<400x128xf32, #tpu.memory_space<vmem>>) target(%dma_start3A_220 : memref<400x128xf32, #tpu.memory_space<hbm>>) target_semaphore(%arg12 : memref<!tpu.dma_semaphore, #tpu.memory_space<semaphore_mem>>)
    %dma_wait3A_221 = arith.constant 2800 : i32
    %dma_wait3A_222 = tpu.memref_slice %arg6[%dma_wait3A_221] : memref<8000xi32, #tpu.memory_space<vmem>> -> memref<400xi32, #tpu.memory_space<vmem>>
    %dma_wait3A_223 = arith.constant 0 : i32
    %dma_wait3A_224 = arith.constant 0 : i32
    %dma_wait3A_225 = tpu.memref_slice %arg2[%dma_wait3A_223, %dma_wait3A_224] : memref<20000x128xf32, #tpu.memory_space<hbm>> -> memref<20000x128xf32, #tpu.memory_space<hbm>>
    tpu.wait_indirect_dma semaphore(%arg11 : memref<!tpu.dma_semaphore, #tpu.memory_space<semaphore_mem>>) src(%dma_wait3A_225 : memref<20000x128xf32, #tpu.memory_space<hbm>>) dst(%arg9 : memref<400x128xf32, #tpu.memory_space<vmem>>)
    %dma_start3A_226 = arith.constant 2800 : i32
    %dma_start3A_227 = tpu.memref_slice %arg7[%dma_start3A_226] : memref<8000xi32, #tpu.memory_space<vmem>> -> memref<400xi32, #tpu.memory_space<vmem>>
    %dma_start3A_228 = arith.constant 0 : i32
    %dma_start3A_229 = arith.constant 0 : i32
    %dma_start3A_230 = tpu.memref_slice %arg2[%dma_start3A_228, %dma_start3A_229] : memref<20000x128xf32, #tpu.memory_space<hbm>> -> memref<20000x128xf32, #tpu.memory_space<hbm>>
    tpu.enqueue_indirect_dma source(%dma_start3A_230 : memref<20000x128xf32, #tpu.memory_space<hbm>>) target(%arg9 : memref<400x128xf32, #tpu.memory_space<vmem>>) offsets(%dma_start3A_227 : memref<400xi32, #tpu.memory_space<vmem>>) semaphore(%arg11 : memref<!tpu.dma_semaphore, #tpu.memory_space<semaphore_mem>>) {add = true}
    %dma_wait3A_231 = arith.constant 0 : i32
    %dma_wait3A_232 = tpu.memref_slice %arg5[%add3A_216, %dma_wait3A_231] : memref<256000x128xf32, #tpu.memory_space<hbm>> -> memref<400x128xf32, #tpu.memory_space<hbm>>
    %dma_wait3A_233 = arith.constant 0 : i32
    %dma_wait3A_234 = tpu.memref_slice %arg5[%add3A_216, %dma_wait3A_233] : memref<256000x128xf32, #tpu.memory_space<hbm>> -> memref<400x128xf32, #tpu.memory_space<hbm>>
    tpu.wait_dma2 semaphore(%arg12 : memref<!tpu.dma_semaphore, #tpu.memory_space<semaphore_mem>>) src(%arg8 : memref<400x128xf32, #tpu.memory_space<vmem>>) dst(%dma_wait3A_234 : memref<400x128xf32, #tpu.memory_space<hbm>>)
    %dma_start3A_235 = arith.constant 3200 : i32
    %dma_start3A_236 = tpu.memref_slice %arg6[%dma_start3A_235] : memref<8000xi32, #tpu.memory_space<vmem>> -> memref<400xi32, #tpu.memory_space<vmem>>
    %dma_start3A_237 = arith.constant 0 : i32
    %dma_start3A_238 = arith.constant 0 : i32
    %dma_start3A_239 = tpu.memref_slice %arg2[%dma_start3A_237, %dma_start3A_238] : memref<20000x128xf32, #tpu.memory_space<hbm>> -> memref<20000x128xf32, #tpu.memory_space<hbm>>
    tpu.enqueue_indirect_dma source(%dma_start3A_239 : memref<20000x128xf32, #tpu.memory_space<hbm>>) target(%arg8 : memref<400x128xf32, #tpu.memory_space<vmem>>) offsets(%dma_start3A_236 : memref<400xi32, #tpu.memory_space<vmem>>) semaphore(%arg10 : memref<!tpu.dma_semaphore, #tpu.memory_space<semaphore_mem>>)
    %dma_wait3A_240 = arith.constant 2800 : i32
    %dma_wait3A_241 = tpu.memref_slice %arg7[%dma_wait3A_240] : memref<8000xi32, #tpu.memory_space<vmem>> -> memref<400xi32, #tpu.memory_space<vmem>>
    %dma_wait3A_242 = arith.constant 0 : i32
    %dma_wait3A_243 = arith.constant 0 : i32
    %dma_wait3A_244 = tpu.memref_slice %arg2[%dma_wait3A_242, %dma_wait3A_243] : memref<20000x128xf32, #tpu.memory_space<hbm>> -> memref<20000x128xf32, #tpu.memory_space<hbm>>
    tpu.wait_indirect_dma semaphore(%arg11 : memref<!tpu.dma_semaphore, #tpu.memory_space<semaphore_mem>>) src(%dma_wait3A_244 : memref<20000x128xf32, #tpu.memory_space<hbm>>) dst(%arg9 : memref<400x128xf32, #tpu.memory_space<vmem>>)
    %add3A_245 = arith.constant 2800 : i32
    %add3A_246 = arith.addi %multiple_of3A, %add3A_245 : i32
    %dma_start3A_247 = arith.constant 0 : i32
    %dma_start3A_248 = tpu.memref_slice %arg5[%add3A_246, %dma_start3A_247] : memref<256000x128xf32, #tpu.memory_space<hbm>> -> memref<400x128xf32, #tpu.memory_space<hbm>>
    %dma_start3A_249 = arith.constant 0 : i32
    %dma_start3A_250 = tpu.memref_slice %arg5[%add3A_246, %dma_start3A_249] : memref<256000x128xf32, #tpu.memory_space<hbm>> -> memref<400x128xf32, #tpu.memory_space<hbm>>
    tpu.enqueue_dma source(%arg9 : memref<400x128xf32, #tpu.memory_space<vmem>>) target(%dma_start3A_250 : memref<400x128xf32, #tpu.memory_space<hbm>>) target_semaphore(%arg13 : memref<!tpu.dma_semaphore, #tpu.memory_space<semaphore_mem>>)
    %dma_wait3A_251 = arith.constant 3200 : i32
    %dma_wait3A_252 = tpu.memref_slice %arg6[%dma_wait3A_251] : memref<8000xi32, #tpu.memory_space<vmem>> -> memref<400xi32, #tpu.memory_space<vmem>>
    %dma_wait3A_253 = arith.constant 0 : i32
    %dma_wait3A_254 = arith.constant 0 : i32
    %dma_wait3A_255 = tpu.memref_slice %arg2[%dma_wait3A_253, %dma_wait3A_254] : memref<20000x128xf32, #tpu.memory_space<hbm>> -> memref<20000x128xf32, #tpu.memory_space<hbm>>
    tpu.wait_indirect_dma semaphore(%arg10 : memref<!tpu.dma_semaphore, #tpu.memory_space<semaphore_mem>>) src(%dma_wait3A_255 : memref<20000x128xf32, #tpu.memory_space<hbm>>) dst(%arg8 : memref<400x128xf32, #tpu.memory_space<vmem>>)
    %dma_start3A_256 = arith.constant 3200 : i32
    %dma_start3A_257 = tpu.memref_slice %arg7[%dma_start3A_256] : memref<8000xi32, #tpu.memory_space<vmem>> -> memref<400xi32, #tpu.memory_space<vmem>>
    %dma_start3A_258 = arith.constant 0 : i32
    %dma_start3A_259 = arith.constant 0 : i32
    %dma_start3A_260 = tpu.memref_slice %arg2[%dma_start3A_258, %dma_start3A_259] : memref<20000x128xf32, #tpu.memory_space<hbm>> -> memref<20000x128xf32, #tpu.memory_space<hbm>>
    tpu.enqueue_indirect_dma source(%dma_start3A_260 : memref<20000x128xf32, #tpu.memory_space<hbm>>) target(%arg8 : memref<400x128xf32, #tpu.memory_space<vmem>>) offsets(%dma_start3A_257 : memref<400xi32, #tpu.memory_space<vmem>>) semaphore(%arg10 : memref<!tpu.dma_semaphore, #tpu.memory_space<semaphore_mem>>) {add = true}
    %dma_wait3A_261 = arith.constant 0 : i32
    %dma_wait3A_262 = tpu.memref_slice %arg5[%add3A_246, %dma_wait3A_261] : memref<256000x128xf32, #tpu.memory_space<hbm>> -> memref<400x128xf32, #tpu.memory_space<hbm>>
    %dma_wait3A_263 = arith.constant 0 : i32
    %dma_wait3A_264 = tpu.memref_slice %arg5[%add3A_246, %dma_wait3A_263] : memref<256000x128xf32, #tpu.memory_space<hbm>> -> memref<400x128xf32, #tpu.memory_space<hbm>>
    tpu.wait_dma2 semaphore(%arg13 : memref<!tpu.dma_semaphore, #tpu.memory_space<semaphore_mem>>) src(%arg9 : memref<400x128xf32, #tpu.memory_space<vmem>>) dst(%dma_wait3A_264 : memref<400x128xf32, #tpu.memory_space<hbm>>)
    %dma_start3A_265 = arith.constant 3600 : i32
    %dma_start3A_266 = tpu.memref_slice %arg6[%dma_start3A_265] : memref<8000xi32, #tpu.memory_space<vmem>> -> memref<400xi32, #tpu.memory_space<vmem>>
    %dma_start3A_267 = arith.constant 0 : i32
    %dma_start3A_268 = arith.constant 0 : i32
    %dma_start3A_269 = tpu.memref_slice %arg2[%dma_start3A_267, %dma_start3A_268] : memref<20000x128xf32, #tpu.memory_space<hbm>> -> memref<20000x128xf32, #tpu.memory_space<hbm>>
    tpu.enqueue_indirect_dma source(%dma_start3A_269 : memref<20000x128xf32, #tpu.memory_space<hbm>>) target(%arg9 : memref<400x128xf32, #tpu.memory_space<vmem>>) offsets(%dma_start3A_266 : memref<400xi32, #tpu.memory_space<vmem>>) semaphore(%arg11 : memref<!tpu.dma_semaphore, #tpu.memory_space<semaphore_mem>>)
    %dma_wait3A_270 = arith.constant 3200 : i32
    %dma_wait3A_271 = tpu.memref_slice %arg7[%dma_wait3A_270] : memref<8000xi32, #tpu.memory_space<vmem>> -> memref<400xi32, #tpu.memory_space<vmem>>
    %dma_wait3A_272 = arith.constant 0 : i32
    %dma_wait3A_273 = arith.constant 0 : i32
    %dma_wait3A_274 = tpu.memref_slice %arg2[%dma_wait3A_272, %dma_wait3A_273] : memref<20000x128xf32, #tpu.memory_space<hbm>> -> memref<20000x128xf32, #tpu.memory_space<hbm>>
    tpu.wait_indirect_dma semaphore(%arg10 : memref<!tpu.dma_semaphore, #tpu.memory_space<semaphore_mem>>) src(%dma_wait3A_274 : memref<20000x128xf32, #tpu.memory_space<hbm>>) dst(%arg8 : memref<400x128xf32, #tpu.memory_space<vmem>>)
    %add3A_275 = arith.constant 3200 : i32
    %add3A_276 = arith.addi %multiple_of3A, %add3A_275 : i32
    %dma_start3A_277 = arith.constant 0 : i32
    %dma_start3A_278 = tpu.memref_slice %arg5[%add3A_276, %dma_start3A_277] : memref<256000x128xf32, #tpu.memory_space<hbm>> -> memref<400x128xf32, #tpu.memory_space<hbm>>
    %dma_start3A_279 = arith.constant 0 : i32
    %dma_start3A_280 = tpu.memref_slice %arg5[%add3A_276, %dma_start3A_279] : memref<256000x128xf32, #tpu.memory_space<hbm>> -> memref<400x128xf32, #tpu.memory_space<hbm>>
    tpu.enqueue_dma source(%arg8 : memref<400x128xf32, #tpu.memory_space<vmem>>) target(%dma_start3A_280 : memref<400x128xf32, #tpu.memory_space<hbm>>) target_semaphore(%arg12 : memref<!tpu.dma_semaphore, #tpu.memory_space<semaphore_mem>>)
    %dma_wait3A_281 = arith.constant 3600 : i32
    %dma_wait3A_282 = tpu.memref_slice %arg6[%dma_wait3A_281] : memref<8000xi32, #tpu.memory_space<vmem>> -> memref<400xi32, #tpu.memory_space<vmem>>
    %dma_wait3A_283 = arith.constant 0 : i32
    %dma_wait3A_284 = arith.constant 0 : i32
    %dma_wait3A_285 = tpu.memref_slice %arg2[%dma_wait3A_283, %dma_wait3A_284] : memref<20000x128xf32, #tpu.memory_space<hbm>> -> memref<20000x128xf32, #tpu.memory_space<hbm>>
    tpu.wait_indirect_dma semaphore(%arg11 : memref<!tpu.dma_semaphore, #tpu.memory_space<semaphore_mem>>) src(%dma_wait3A_285 : memref<20000x128xf32, #tpu.memory_space<hbm>>) dst(%arg9 : memref<400x128xf32, #tpu.memory_space<vmem>>)
    %dma_start3A_286 = arith.constant 3600 : i32
    %dma_start3A_287 = tpu.memref_slice %arg7[%dma_start3A_286] : memref<8000xi32, #tpu.memory_space<vmem>> -> memref<400xi32, #tpu.memory_space<vmem>>
    %dma_start3A_288 = arith.constant 0 : i32
    %dma_start3A_289 = arith.constant 0 : i32
    %dma_start3A_290 = tpu.memref_slice %arg2[%dma_start3A_288, %dma_start3A_289] : memref<20000x128xf32, #tpu.memory_space<hbm>> -> memref<20000x128xf32, #tpu.memory_space<hbm>>
    tpu.enqueue_indirect_dma source(%dma_start3A_290 : memref<20000x128xf32, #tpu.memory_space<hbm>>) target(%arg9 : memref<400x128xf32, #tpu.memory_space<vmem>>) offsets(%dma_start3A_287 : memref<400xi32, #tpu.memory_space<vmem>>) semaphore(%arg11 : memref<!tpu.dma_semaphore, #tpu.memory_space<semaphore_mem>>) {add = true}
    %dma_wait3A_291 = arith.constant 0 : i32
    %dma_wait3A_292 = tpu.memref_slice %arg5[%add3A_276, %dma_wait3A_291] : memref<256000x128xf32, #tpu.memory_space<hbm>> -> memref<400x128xf32, #tpu.memory_space<hbm>>
    %dma_wait3A_293 = arith.constant 0 : i32
    %dma_wait3A_294 = tpu.memref_slice %arg5[%add3A_276, %dma_wait3A_293] : memref<256000x128xf32, #tpu.memory_space<hbm>> -> memref<400x128xf32, #tpu.memory_space<hbm>>
    tpu.wait_dma2 semaphore(%arg12 : memref<!tpu.dma_semaphore, #tpu.memory_space<semaphore_mem>>) src(%arg8 : memref<400x128xf32, #tpu.memory_space<vmem>>) dst(%dma_wait3A_294 : memref<400x128xf32, #tpu.memory_space<hbm>>)
    %dma_start3A_295 = arith.constant 4000 : i32
    %dma_start3A_296 = tpu.memref_slice %arg6[%dma_start3A_295] : memref<8000xi32, #tpu.memory_space<vmem>> -> memref<400xi32, #tpu.memory_space<vmem>>
    %dma_start3A_297 = arith.constant 0 : i32
    %dma_start3A_298 = arith.constant 0 : i32
    %dma_start3A_299 = tpu.memref_slice %arg2[%dma_start3A_297, %dma_start3A_298] : memref<20000x128xf32, #tpu.memory_space<hbm>> -> memref<20000x128xf32, #tpu.memory_space<hbm>>
    tpu.enqueue_indirect_dma source(%dma_start3A_299 : memref<20000x128xf32, #tpu.memory_space<hbm>>) target(%arg8 : memref<400x128xf32, #tpu.memory_space<vmem>>) offsets(%dma_start3A_296 : memref<400xi32, #tpu.memory_space<vmem>>) semaphore(%arg10 : memref<!tpu.dma_semaphore, #tpu.memory_space<semaphore_mem>>)
    %dma_wait3A_300 = arith.constant 3600 : i32
    %dma_wait3A_301 = tpu.memref_slice %arg7[%dma_wait3A_300] : memref<8000xi32, #tpu.memory_space<vmem>> -> memref<400xi32, #tpu.memory_space<vmem>>
    %dma_wait3A_302 = arith.constant 0 : i32
    %dma_wait3A_303 = arith.constant 0 : i32
    %dma_wait3A_304 = tpu.memref_slice %arg2[%dma_wait3A_302, %dma_wait3A_303] : memref<20000x128xf32, #tpu.memory_space<hbm>> -> memref<20000x128xf32, #tpu.memory_space<hbm>>
    tpu.wait_indirect_dma semaphore(%arg11 : memref<!tpu.dma_semaphore, #tpu.memory_space<semaphore_mem>>) src(%dma_wait3A_304 : memref<20000x128xf32, #tpu.memory_space<hbm>>) dst(%arg9 : memref<400x128xf32, #tpu.memory_space<vmem>>)
    %add3A_305 = arith.constant 3600 : i32
    %add3A_306 = arith.addi %multiple_of3A, %add3A_305 : i32
    %dma_start3A_307 = arith.constant 0 : i32
    %dma_start3A_308 = tpu.memref_slice %arg5[%add3A_306, %dma_start3A_307] : memref<256000x128xf32, #tpu.memory_space<hbm>> -> memref<400x128xf32, #tpu.memory_space<hbm>>
    %dma_start3A_309 = arith.constant 0 : i32
    %dma_start3A_310 = tpu.memref_slice %arg5[%add3A_306, %dma_start3A_309] : memref<256000x128xf32, #tpu.memory_space<hbm>> -> memref<400x128xf32, #tpu.memory_space<hbm>>
    tpu.enqueue_dma source(%arg9 : memref<400x128xf32, #tpu.memory_space<vmem>>) target(%dma_start3A_310 : memref<400x128xf32, #tpu.memory_space<hbm>>) target_semaphore(%arg13 : memref<!tpu.dma_semaphore, #tpu.memory_space<semaphore_mem>>)
    %dma_wait3A_311 = arith.constant 4000 : i32
    %dma_wait3A_312 = tpu.memref_slice %arg6[%dma_wait3A_311] : memref<8000xi32, #tpu.memory_space<vmem>> -> memref<400xi32, #tpu.memory_space<vmem>>
    %dma_wait3A_313 = arith.constant 0 : i32
    %dma_wait3A_314 = arith.constant 0 : i32
    %dma_wait3A_315 = tpu.memref_slice %arg2[%dma_wait3A_313, %dma_wait3A_314] : memref<20000x128xf32, #tpu.memory_space<hbm>> -> memref<20000x128xf32, #tpu.memory_space<hbm>>
    tpu.wait_indirect_dma semaphore(%arg10 : memref<!tpu.dma_semaphore, #tpu.memory_space<semaphore_mem>>) src(%dma_wait3A_315 : memref<20000x128xf32, #tpu.memory_space<hbm>>) dst(%arg8 : memref<400x128xf32, #tpu.memory_space<vmem>>)
    %dma_start3A_316 = arith.constant 4000 : i32
    %dma_start3A_317 = tpu.memref_slice %arg7[%dma_start3A_316] : memref<8000xi32, #tpu.memory_space<vmem>> -> memref<400xi32, #tpu.memory_space<vmem>>
    %dma_start3A_318 = arith.constant 0 : i32
    %dma_start3A_319 = arith.constant 0 : i32
    %dma_start3A_320 = tpu.memref_slice %arg2[%dma_start3A_318, %dma_start3A_319] : memref<20000x128xf32, #tpu.memory_space<hbm>> -> memref<20000x128xf32, #tpu.memory_space<hbm>>
    tpu.enqueue_indirect_dma source(%dma_start3A_320 : memref<20000x128xf32, #tpu.memory_space<hbm>>) target(%arg8 : memref<400x128xf32, #tpu.memory_space<vmem>>) offsets(%dma_start3A_317 : memref<400xi32, #tpu.memory_space<vmem>>) semaphore(%arg10 : memref<!tpu.dma_semaphore, #tpu.memory_space<semaphore_mem>>) {add = true}
    %dma_wait3A_321 = arith.constant 0 : i32
    %dma_wait3A_322 = tpu.memref_slice %arg5[%add3A_306, %dma_wait3A_321] : memref<256000x128xf32, #tpu.memory_space<hbm>> -> memref<400x128xf32, #tpu.memory_space<hbm>>
    %dma_wait3A_323 = arith.constant 0 : i32
    %dma_wait3A_324 = tpu.memref_slice %arg5[%add3A_306, %dma_wait3A_323] : memref<256000x128xf32, #tpu.memory_space<hbm>> -> memref<400x128xf32, #tpu.memory_space<hbm>>
    tpu.wait_dma2 semaphore(%arg13 : memref<!tpu.dma_semaphore, #tpu.memory_space<semaphore_mem>>) src(%arg9 : memref<400x128xf32, #tpu.memory_space<vmem>>) dst(%dma_wait3A_324 : memref<400x128xf32, #tpu.memory_space<hbm>>)
    %dma_start3A_325 = arith.constant 4400 : i32
    %dma_start3A_326 = tpu.memref_slice %arg6[%dma_start3A_325] : memref<8000xi32, #tpu.memory_space<vmem>> -> memref<400xi32, #tpu.memory_space<vmem>>
    %dma_start3A_327 = arith.constant 0 : i32
    %dma_start3A_328 = arith.constant 0 : i32
    %dma_start3A_329 = tpu.memref_slice %arg2[%dma_start3A_327, %dma_start3A_328] : memref<20000x128xf32, #tpu.memory_space<hbm>> -> memref<20000x128xf32, #tpu.memory_space<hbm>>
    tpu.enqueue_indirect_dma source(%dma_start3A_329 : memref<20000x128xf32, #tpu.memory_space<hbm>>) target(%arg9 : memref<400x128xf32, #tpu.memory_space<vmem>>) offsets(%dma_start3A_326 : memref<400xi32, #tpu.memory_space<vmem>>) semaphore(%arg11 : memref<!tpu.dma_semaphore, #tpu.memory_space<semaphore_mem>>)
    %dma_wait3A_330 = arith.constant 4000 : i32
    %dma_wait3A_331 = tpu.memref_slice %arg7[%dma_wait3A_330] : memref<8000xi32, #tpu.memory_space<vmem>> -> memref<400xi32, #tpu.memory_space<vmem>>
    %dma_wait3A_332 = arith.constant 0 : i32
    %dma_wait3A_333 = arith.constant 0 : i32
    %dma_wait3A_334 = tpu.memref_slice %arg2[%dma_wait3A_332, %dma_wait3A_333] : memref<20000x128xf32, #tpu.memory_space<hbm>> -> memref<20000x128xf32, #tpu.memory_space<hbm>>
    tpu.wait_indirect_dma semaphore(%arg10 : memref<!tpu.dma_semaphore, #tpu.memory_space<semaphore_mem>>) src(%dma_wait3A_334 : memref<20000x128xf32, #tpu.memory_space<hbm>>) dst(%arg8 : memref<400x128xf32, #tpu.memory_space<vmem>>)
    %add3A_335 = arith.constant 4000 : i32
    %add3A_336 = arith.addi %multiple_of3A, %add3A_335 : i32
    %dma_start3A_337 = arith.constant 0 : i32
    %dma_start3A_338 = tpu.memref_slice %arg5[%add3A_336, %dma_start3A_337] : memref<256000x128xf32, #tpu.memory_space<hbm>> -> memref<400x128xf32, #tpu.memory_space<hbm>>
    %dma_start3A_339 = arith.constant 0 : i32
    %dma_start3A_340 = tpu.memref_slice %arg5[%add3A_336, %dma_start3A_339] : memref<256000x128xf32, #tpu.memory_space<hbm>> -> memref<400x128xf32, #tpu.memory_space<hbm>>
    tpu.enqueue_dma source(%arg8 : memref<400x128xf32, #tpu.memory_space<vmem>>) target(%dma_start3A_340 : memref<400x128xf32, #tpu.memory_space<hbm>>) target_semaphore(%arg12 : memref<!tpu.dma_semaphore, #tpu.memory_space<semaphore_mem>>)
    %dma_wait3A_341 = arith.constant 4400 : i32
    %dma_wait3A_342 = tpu.memref_slice %arg6[%dma_wait3A_341] : memref<8000xi32, #tpu.memory_space<vmem>> -> memref<400xi32, #tpu.memory_space<vmem>>
    %dma_wait3A_343 = arith.constant 0 : i32
    %dma_wait3A_344 = arith.constant 0 : i32
    %dma_wait3A_345 = tpu.memref_slice %arg2[%dma_wait3A_343, %dma_wait3A_344] : memref<20000x128xf32, #tpu.memory_space<hbm>> -> memref<20000x128xf32, #tpu.memory_space<hbm>>
    tpu.wait_indirect_dma semaphore(%arg11 : memref<!tpu.dma_semaphore, #tpu.memory_space<semaphore_mem>>) src(%dma_wait3A_345 : memref<20000x128xf32, #tpu.memory_space<hbm>>) dst(%arg9 : memref<400x128xf32, #tpu.memory_space<vmem>>)
    %dma_start3A_346 = arith.constant 4400 : i32
    %dma_start3A_347 = tpu.memref_slice %arg7[%dma_start3A_346] : memref<8000xi32, #tpu.memory_space<vmem>> -> memref<400xi32, #tpu.memory_space<vmem>>
    %dma_start3A_348 = arith.constant 0 : i32
    %dma_start3A_349 = arith.constant 0 : i32
    %dma_start3A_350 = tpu.memref_slice %arg2[%dma_start3A_348, %dma_start3A_349] : memref<20000x128xf32, #tpu.memory_space<hbm>> -> memref<20000x128xf32, #tpu.memory_space<hbm>>
    tpu.enqueue_indirect_dma source(%dma_start3A_350 : memref<20000x128xf32, #tpu.memory_space<hbm>>) target(%arg9 : memref<400x128xf32, #tpu.memory_space<vmem>>) offsets(%dma_start3A_347 : memref<400xi32, #tpu.memory_space<vmem>>) semaphore(%arg11 : memref<!tpu.dma_semaphore, #tpu.memory_space<semaphore_mem>>) {add = true}
    %dma_wait3A_351 = arith.constant 0 : i32
    %dma_wait3A_352 = tpu.memref_slice %arg5[%add3A_336, %dma_wait3A_351] : memref<256000x128xf32, #tpu.memory_space<hbm>> -> memref<400x128xf32, #tpu.memory_space<hbm>>
    %dma_wait3A_353 = arith.constant 0 : i32
    %dma_wait3A_354 = tpu.memref_slice %arg5[%add3A_336, %dma_wait3A_353] : memref<256000x128xf32, #tpu.memory_space<hbm>> -> memref<400x128xf32, #tpu.memory_space<hbm>>
    tpu.wait_dma2 semaphore(%arg12 : memref<!tpu.dma_semaphore, #tpu.memory_space<semaphore_mem>>) src(%arg8 : memref<400x128xf32, #tpu.memory_space<vmem>>) dst(%dma_wait3A_354 : memref<400x128xf32, #tpu.memory_space<hbm>>)
    %dma_start3A_355 = arith.constant 4800 : i32
    %dma_start3A_356 = tpu.memref_slice %arg6[%dma_start3A_355] : memref<8000xi32, #tpu.memory_space<vmem>> -> memref<400xi32, #tpu.memory_space<vmem>>
    %dma_start3A_357 = arith.constant 0 : i32
    %dma_start3A_358 = arith.constant 0 : i32
    %dma_start3A_359 = tpu.memref_slice %arg2[%dma_start3A_357, %dma_start3A_358] : memref<20000x128xf32, #tpu.memory_space<hbm>> -> memref<20000x128xf32, #tpu.memory_space<hbm>>
    tpu.enqueue_indirect_dma source(%dma_start3A_359 : memref<20000x128xf32, #tpu.memory_space<hbm>>) target(%arg8 : memref<400x128xf32, #tpu.memory_space<vmem>>) offsets(%dma_start3A_356 : memref<400xi32, #tpu.memory_space<vmem>>) semaphore(%arg10 : memref<!tpu.dma_semaphore, #tpu.memory_space<semaphore_mem>>)
    %dma_wait3A_360 = arith.constant 4400 : i32
    %dma_wait3A_361 = tpu.memref_slice %arg7[%dma_wait3A_360] : memref<8000xi32, #tpu.memory_space<vmem>> -> memref<400xi32, #tpu.memory_space<vmem>>
    %dma_wait3A_362 = arith.constant 0 : i32
    %dma_wait3A_363 = arith.constant 0 : i32
    %dma_wait3A_364 = tpu.memref_slice %arg2[%dma_wait3A_362, %dma_wait3A_363] : memref<20000x128xf32, #tpu.memory_space<hbm>> -> memref<20000x128xf32, #tpu.memory_space<hbm>>
    tpu.wait_indirect_dma semaphore(%arg11 : memref<!tpu.dma_semaphore, #tpu.memory_space<semaphore_mem>>) src(%dma_wait3A_364 : memref<20000x128xf32, #tpu.memory_space<hbm>>) dst(%arg9 : memref<400x128xf32, #tpu.memory_space<vmem>>)
    %add3A_365 = arith.constant 4400 : i32
    %add3A_366 = arith.addi %multiple_of3A, %add3A_365 : i32
    %dma_start3A_367 = arith.constant 0 : i32
    %dma_start3A_368 = tpu.memref_slice %arg5[%add3A_366, %dma_start3A_367] : memref<256000x128xf32, #tpu.memory_space<hbm>> -> memref<400x128xf32, #tpu.memory_space<hbm>>
    %dma_start3A_369 = arith.constant 0 : i32
    %dma_start3A_370 = tpu.memref_slice %arg5[%add3A_366, %dma_start3A_369] : memref<256000x128xf32, #tpu.memory_space<hbm>> -> memref<400x128xf32, #tpu.memory_space<hbm>>
    tpu.enqueue_dma source(%arg9 : memref<400x128xf32, #tpu.memory_space<vmem>>) target(%dma_start3A_370 : memref<400x128xf32, #tpu.memory_space<hbm>>) target_semaphore(%arg13 : memref<!tpu.dma_semaphore, #tpu.memory_space<semaphore_mem>>)
    %dma_wait3A_371 = arith.constant 4800 : i32
    %dma_wait3A_372 = tpu.memref_slice %arg6[%dma_wait3A_371] : memref<8000xi32, #tpu.memory_space<vmem>> -> memref<400xi32, #tpu.memory_space<vmem>>
    %dma_wait3A_373 = arith.constant 0 : i32
    %dma_wait3A_374 = arith.constant 0 : i32
    %dma_wait3A_375 = tpu.memref_slice %arg2[%dma_wait3A_373, %dma_wait3A_374] : memref<20000x128xf32, #tpu.memory_space<hbm>> -> memref<20000x128xf32, #tpu.memory_space<hbm>>
    tpu.wait_indirect_dma semaphore(%arg10 : memref<!tpu.dma_semaphore, #tpu.memory_space<semaphore_mem>>) src(%dma_wait3A_375 : memref<20000x128xf32, #tpu.memory_space<hbm>>) dst(%arg8 : memref<400x128xf32, #tpu.memory_space<vmem>>)
    %dma_start3A_376 = arith.constant 4800 : i32
    %dma_start3A_377 = tpu.memref_slice %arg7[%dma_start3A_376] : memref<8000xi32, #tpu.memory_space<vmem>> -> memref<400xi32, #tpu.memory_space<vmem>>
    %dma_start3A_378 = arith.constant 0 : i32
    %dma_start3A_379 = arith.constant 0 : i32
    %dma_start3A_380 = tpu.memref_slice %arg2[%dma_start3A_378, %dma_start3A_379] : memref<20000x128xf32, #tpu.memory_space<hbm>> -> memref<20000x128xf32, #tpu.memory_space<hbm>>
    tpu.enqueue_indirect_dma source(%dma_start3A_380 : memref<20000x128xf32, #tpu.memory_space<hbm>>) target(%arg8 : memref<400x128xf32, #tpu.memory_space<vmem>>) offsets(%dma_start3A_377 : memref<400xi32, #tpu.memory_space<vmem>>) semaphore(%arg10 : memref<!tpu.dma_semaphore, #tpu.memory_space<semaphore_mem>>) {add = true}
    %dma_wait3A_381 = arith.constant 0 : i32
    %dma_wait3A_382 = tpu.memref_slice %arg5[%add3A_366, %dma_wait3A_381] : memref<256000x128xf32, #tpu.memory_space<hbm>> -> memref<400x128xf32, #tpu.memory_space<hbm>>
    %dma_wait3A_383 = arith.constant 0 : i32
    %dma_wait3A_384 = tpu.memref_slice %arg5[%add3A_366, %dma_wait3A_383] : memref<256000x128xf32, #tpu.memory_space<hbm>> -> memref<400x128xf32, #tpu.memory_space<hbm>>
    tpu.wait_dma2 semaphore(%arg13 : memref<!tpu.dma_semaphore, #tpu.memory_space<semaphore_mem>>) src(%arg9 : memref<400x128xf32, #tpu.memory_space<vmem>>) dst(%dma_wait3A_384 : memref<400x128xf32, #tpu.memory_space<hbm>>)
    %dma_start3A_385 = arith.constant 5200 : i32
    %dma_start3A_386 = tpu.memref_slice %arg6[%dma_start3A_385] : memref<8000xi32, #tpu.memory_space<vmem>> -> memref<400xi32, #tpu.memory_space<vmem>>
    %dma_start3A_387 = arith.constant 0 : i32
    %dma_start3A_388 = arith.constant 0 : i32
    %dma_start3A_389 = tpu.memref_slice %arg2[%dma_start3A_387, %dma_start3A_388] : memref<20000x128xf32, #tpu.memory_space<hbm>> -> memref<20000x128xf32, #tpu.memory_space<hbm>>
    tpu.enqueue_indirect_dma source(%dma_start3A_389 : memref<20000x128xf32, #tpu.memory_space<hbm>>) target(%arg9 : memref<400x128xf32, #tpu.memory_space<vmem>>) offsets(%dma_start3A_386 : memref<400xi32, #tpu.memory_space<vmem>>) semaphore(%arg11 : memref<!tpu.dma_semaphore, #tpu.memory_space<semaphore_mem>>)
    %dma_wait3A_390 = arith.constant 4800 : i32
    %dma_wait3A_391 = tpu.memref_slice %arg7[%dma_wait3A_390] : memref<8000xi32, #tpu.memory_space<vmem>> -> memref<400xi32, #tpu.memory_space<vmem>>
    %dma_wait3A_392 = arith.constant 0 : i32
    %dma_wait3A_393 = arith.constant 0 : i32
    %dma_wait3A_394 = tpu.memref_slice %arg2[%dma_wait3A_392, %dma_wait3A_393] : memref<20000x128xf32, #tpu.memory_space<hbm>> -> memref<20000x128xf32, #tpu.memory_space<hbm>>
    tpu.wait_indirect_dma semaphore(%arg10 : memref<!tpu.dma_semaphore, #tpu.memory_space<semaphore_mem>>) src(%dma_wait3A_394 : memref<20000x128xf32, #tpu.memory_space<hbm>>) dst(%arg8 : memref<400x128xf32, #tpu.memory_space<vmem>>)
    %add3A_395 = arith.constant 4800 : i32
    %add3A_396 = arith.addi %multiple_of3A, %add3A_395 : i32
    %dma_start3A_397 = arith.constant 0 : i32
    %dma_start3A_398 = tpu.memref_slice %arg5[%add3A_396, %dma_start3A_397] : memref<256000x128xf32, #tpu.memory_space<hbm>> -> memref<400x128xf32, #tpu.memory_space<hbm>>
    %dma_start3A_399 = arith.constant 0 : i32
    %dma_start3A_400 = tpu.memref_slice %arg5[%add3A_396, %dma_start3A_399] : memref<256000x128xf32, #tpu.memory_space<hbm>> -> memref<400x128xf32, #tpu.memory_space<hbm>>
    tpu.enqueue_dma source(%arg8 : memref<400x128xf32, #tpu.memory_space<vmem>>) target(%dma_start3A_400 : memref<400x128xf32, #tpu.memory_space<hbm>>) target_semaphore(%arg12 : memref<!tpu.dma_semaphore, #tpu.memory_space<semaphore_mem>>)
    %dma_wait3A_401 = arith.constant 5200 : i32
    %dma_wait3A_402 = tpu.memref_slice %arg6[%dma_wait3A_401] : memref<8000xi32, #tpu.memory_space<vmem>> -> memref<400xi32, #tpu.memory_space<vmem>>
    %dma_wait3A_403 = arith.constant 0 : i32
    %dma_wait3A_404 = arith.constant 0 : i32
    %dma_wait3A_405 = tpu.memref_slice %arg2[%dma_wait3A_403, %dma_wait3A_404] : memref<20000x128xf32, #tpu.memory_space<hbm>> -> memref<20000x128xf32, #tpu.memory_space<hbm>>
    tpu.wait_indirect_dma semaphore(%arg11 : memref<!tpu.dma_semaphore, #tpu.memory_space<semaphore_mem>>) src(%dma_wait3A_405 : memref<20000x128xf32, #tpu.memory_space<hbm>>) dst(%arg9 : memref<400x128xf32, #tpu.memory_space<vmem>>)
    %dma_start3A_406 = arith.constant 5200 : i32
    %dma_start3A_407 = tpu.memref_slice %arg7[%dma_start3A_406] : memref<8000xi32, #tpu.memory_space<vmem>> -> memref<400xi32, #tpu.memory_space<vmem>>
    %dma_start3A_408 = arith.constant 0 : i32
    %dma_start3A_409 = arith.constant 0 : i32
    %dma_start3A_410 = tpu.memref_slice %arg2[%dma_start3A_408, %dma_start3A_409] : memref<20000x128xf32, #tpu.memory_space<hbm>> -> memref<20000x128xf32, #tpu.memory_space<hbm>>
    tpu.enqueue_indirect_dma source(%dma_start3A_410 : memref<20000x128xf32, #tpu.memory_space<hbm>>) target(%arg9 : memref<400x128xf32, #tpu.memory_space<vmem>>) offsets(%dma_start3A_407 : memref<400xi32, #tpu.memory_space<vmem>>) semaphore(%arg11 : memref<!tpu.dma_semaphore, #tpu.memory_space<semaphore_mem>>) {add = true}
    %dma_wait3A_411 = arith.constant 0 : i32
    %dma_wait3A_412 = tpu.memref_slice %arg5[%add3A_396, %dma_wait3A_411] : memref<256000x128xf32, #tpu.memory_space<hbm>> -> memref<400x128xf32, #tpu.memory_space<hbm>>
    %dma_wait3A_413 = arith.constant 0 : i32
    %dma_wait3A_414 = tpu.memref_slice %arg5[%add3A_396, %dma_wait3A_413] : memref<256000x128xf32, #tpu.memory_space<hbm>> -> memref<400x128xf32, #tpu.memory_space<hbm>>
    tpu.wait_dma2 semaphore(%arg12 : memref<!tpu.dma_semaphore, #tpu.memory_space<semaphore_mem>>) src(%arg8 : memref<400x128xf32, #tpu.memory_space<vmem>>) dst(%dma_wait3A_414 : memref<400x128xf32, #tpu.memory_space<hbm>>)
    %dma_start3A_415 = arith.constant 5600 : i32
    %dma_start3A_416 = tpu.memref_slice %arg6[%dma_start3A_415] : memref<8000xi32, #tpu.memory_space<vmem>> -> memref<400xi32, #tpu.memory_space<vmem>>
    %dma_start3A_417 = arith.constant 0 : i32
    %dma_start3A_418 = arith.constant 0 : i32
    %dma_start3A_419 = tpu.memref_slice %arg2[%dma_start3A_417, %dma_start3A_418] : memref<20000x128xf32, #tpu.memory_space<hbm>> -> memref<20000x128xf32, #tpu.memory_space<hbm>>
    tpu.enqueue_indirect_dma source(%dma_start3A_419 : memref<20000x128xf32, #tpu.memory_space<hbm>>) target(%arg8 : memref<400x128xf32, #tpu.memory_space<vmem>>) offsets(%dma_start3A_416 : memref<400xi32, #tpu.memory_space<vmem>>) semaphore(%arg10 : memref<!tpu.dma_semaphore, #tpu.memory_space<semaphore_mem>>)
    %dma_wait3A_420 = arith.constant 5200 : i32
    %dma_wait3A_421 = tpu.memref_slice %arg7[%dma_wait3A_420] : memref<8000xi32, #tpu.memory_space<vmem>> -> memref<400xi32, #tpu.memory_space<vmem>>
    %dma_wait3A_422 = arith.constant 0 : i32
    %dma_wait3A_423 = arith.constant 0 : i32
    %dma_wait3A_424 = tpu.memref_slice %arg2[%dma_wait3A_422, %dma_wait3A_423] : memref<20000x128xf32, #tpu.memory_space<hbm>> -> memref<20000x128xf32, #tpu.memory_space<hbm>>
    tpu.wait_indirect_dma semaphore(%arg11 : memref<!tpu.dma_semaphore, #tpu.memory_space<semaphore_mem>>) src(%dma_wait3A_424 : memref<20000x128xf32, #tpu.memory_space<hbm>>) dst(%arg9 : memref<400x128xf32, #tpu.memory_space<vmem>>)
    %add3A_425 = arith.constant 5200 : i32
    %add3A_426 = arith.addi %multiple_of3A, %add3A_425 : i32
    %dma_start3A_427 = arith.constant 0 : i32
    %dma_start3A_428 = tpu.memref_slice %arg5[%add3A_426, %dma_start3A_427] : memref<256000x128xf32, #tpu.memory_space<hbm>> -> memref<400x128xf32, #tpu.memory_space<hbm>>
    %dma_start3A_429 = arith.constant 0 : i32
    %dma_start3A_430 = tpu.memref_slice %arg5[%add3A_426, %dma_start3A_429] : memref<256000x128xf32, #tpu.memory_space<hbm>> -> memref<400x128xf32, #tpu.memory_space<hbm>>
    tpu.enqueue_dma source(%arg9 : memref<400x128xf32, #tpu.memory_space<vmem>>) target(%dma_start3A_430 : memref<400x128xf32, #tpu.memory_space<hbm>>) target_semaphore(%arg13 : memref<!tpu.dma_semaphore, #tpu.memory_space<semaphore_mem>>)
    %dma_wait3A_431 = arith.constant 5600 : i32
    %dma_wait3A_432 = tpu.memref_slice %arg6[%dma_wait3A_431] : memref<8000xi32, #tpu.memory_space<vmem>> -> memref<400xi32, #tpu.memory_space<vmem>>
    %dma_wait3A_433 = arith.constant 0 : i32
    %dma_wait3A_434 = arith.constant 0 : i32
    %dma_wait3A_435 = tpu.memref_slice %arg2[%dma_wait3A_433, %dma_wait3A_434] : memref<20000x128xf32, #tpu.memory_space<hbm>> -> memref<20000x128xf32, #tpu.memory_space<hbm>>
    tpu.wait_indirect_dma semaphore(%arg10 : memref<!tpu.dma_semaphore, #tpu.memory_space<semaphore_mem>>) src(%dma_wait3A_435 : memref<20000x128xf32, #tpu.memory_space<hbm>>) dst(%arg8 : memref<400x128xf32, #tpu.memory_space<vmem>>)
    %dma_start3A_436 = arith.constant 5600 : i32
    %dma_start3A_437 = tpu.memref_slice %arg7[%dma_start3A_436] : memref<8000xi32, #tpu.memory_space<vmem>> -> memref<400xi32, #tpu.memory_space<vmem>>
    %dma_start3A_438 = arith.constant 0 : i32
    %dma_start3A_439 = arith.constant 0 : i32
    %dma_start3A_440 = tpu.memref_slice %arg2[%dma_start3A_438, %dma_start3A_439] : memref<20000x128xf32, #tpu.memory_space<hbm>> -> memref<20000x128xf32, #tpu.memory_space<hbm>>
    tpu.enqueue_indirect_dma source(%dma_start3A_440 : memref<20000x128xf32, #tpu.memory_space<hbm>>) target(%arg8 : memref<400x128xf32, #tpu.memory_space<vmem>>) offsets(%dma_start3A_437 : memref<400xi32, #tpu.memory_space<vmem>>) semaphore(%arg10 : memref<!tpu.dma_semaphore, #tpu.memory_space<semaphore_mem>>) {add = true}
    %dma_wait3A_441 = arith.constant 0 : i32
    %dma_wait3A_442 = tpu.memref_slice %arg5[%add3A_426, %dma_wait3A_441] : memref<256000x128xf32, #tpu.memory_space<hbm>> -> memref<400x128xf32, #tpu.memory_space<hbm>>
    %dma_wait3A_443 = arith.constant 0 : i32
    %dma_wait3A_444 = tpu.memref_slice %arg5[%add3A_426, %dma_wait3A_443] : memref<256000x128xf32, #tpu.memory_space<hbm>> -> memref<400x128xf32, #tpu.memory_space<hbm>>
    tpu.wait_dma2 semaphore(%arg13 : memref<!tpu.dma_semaphore, #tpu.memory_space<semaphore_mem>>) src(%arg9 : memref<400x128xf32, #tpu.memory_space<vmem>>) dst(%dma_wait3A_444 : memref<400x128xf32, #tpu.memory_space<hbm>>)
    %dma_start3A_445 = arith.constant 6000 : i32
    %dma_start3A_446 = tpu.memref_slice %arg6[%dma_start3A_445] : memref<8000xi32, #tpu.memory_space<vmem>> -> memref<400xi32, #tpu.memory_space<vmem>>
    %dma_start3A_447 = arith.constant 0 : i32
    %dma_start3A_448 = arith.constant 0 : i32
    %dma_start3A_449 = tpu.memref_slice %arg2[%dma_start3A_447, %dma_start3A_448] : memref<20000x128xf32, #tpu.memory_space<hbm>> -> memref<20000x128xf32, #tpu.memory_space<hbm>>
    tpu.enqueue_indirect_dma source(%dma_start3A_449 : memref<20000x128xf32, #tpu.memory_space<hbm>>) target(%arg9 : memref<400x128xf32, #tpu.memory_space<vmem>>) offsets(%dma_start3A_446 : memref<400xi32, #tpu.memory_space<vmem>>) semaphore(%arg11 : memref<!tpu.dma_semaphore, #tpu.memory_space<semaphore_mem>>)
    %dma_wait3A_450 = arith.constant 5600 : i32
    %dma_wait3A_451 = tpu.memref_slice %arg7[%dma_wait3A_450] : memref<8000xi32, #tpu.memory_space<vmem>> -> memref<400xi32, #tpu.memory_space<vmem>>
    %dma_wait3A_452 = arith.constant 0 : i32
    %dma_wait3A_453 = arith.constant 0 : i32
    %dma_wait3A_454 = tpu.memref_slice %arg2[%dma_wait3A_452, %dma_wait3A_453] : memref<20000x128xf32, #tpu.memory_space<hbm>> -> memref<20000x128xf32, #tpu.memory_space<hbm>>
    tpu.wait_indirect_dma semaphore(%arg10 : memref<!tpu.dma_semaphore, #tpu.memory_space<semaphore_mem>>) src(%dma_wait3A_454 : memref<20000x128xf32, #tpu.memory_space<hbm>>) dst(%arg8 : memref<400x128xf32, #tpu.memory_space<vmem>>)
    %add3A_455 = arith.constant 5600 : i32
    %add3A_456 = arith.addi %multiple_of3A, %add3A_455 : i32
    %dma_start3A_457 = arith.constant 0 : i32
    %dma_start3A_458 = tpu.memref_slice %arg5[%add3A_456, %dma_start3A_457] : memref<256000x128xf32, #tpu.memory_space<hbm>> -> memref<400x128xf32, #tpu.memory_space<hbm>>
    %dma_start3A_459 = arith.constant 0 : i32
    %dma_start3A_460 = tpu.memref_slice %arg5[%add3A_456, %dma_start3A_459] : memref<256000x128xf32, #tpu.memory_space<hbm>> -> memref<400x128xf32, #tpu.memory_space<hbm>>
    tpu.enqueue_dma source(%arg8 : memref<400x128xf32, #tpu.memory_space<vmem>>) target(%dma_start3A_460 : memref<400x128xf32, #tpu.memory_space<hbm>>) target_semaphore(%arg12 : memref<!tpu.dma_semaphore, #tpu.memory_space<semaphore_mem>>)
    %dma_wait3A_461 = arith.constant 6000 : i32
    %dma_wait3A_462 = tpu.memref_slice %arg6[%dma_wait3A_461] : memref<8000xi32, #tpu.memory_space<vmem>> -> memref<400xi32, #tpu.memory_space<vmem>>
    %dma_wait3A_463 = arith.constant 0 : i32
    %dma_wait3A_464 = arith.constant 0 : i32
    %dma_wait3A_465 = tpu.memref_slice %arg2[%dma_wait3A_463, %dma_wait3A_464] : memref<20000x128xf32, #tpu.memory_space<hbm>> -> memref<20000x128xf32, #tpu.memory_space<hbm>>
    tpu.wait_indirect_dma semaphore(%arg11 : memref<!tpu.dma_semaphore, #tpu.memory_space<semaphore_mem>>) src(%dma_wait3A_465 : memref<20000x128xf32, #tpu.memory_space<hbm>>) dst(%arg9 : memref<400x128xf32, #tpu.memory_space<vmem>>)
    %dma_start3A_466 = arith.constant 6000 : i32
    %dma_start3A_467 = tpu.memref_slice %arg7[%dma_start3A_466] : memref<8000xi32, #tpu.memory_space<vmem>> -> memref<400xi32, #tpu.memory_space<vmem>>
    %dma_start3A_468 = arith.constant 0 : i32
    %dma_start3A_469 = arith.constant 0 : i32
    %dma_start3A_470 = tpu.memref_slice %arg2[%dma_start3A_468, %dma_start3A_469] : memref<20000x128xf32, #tpu.memory_space<hbm>> -> memref<20000x128xf32, #tpu.memory_space<hbm>>
    tpu.enqueue_indirect_dma source(%dma_start3A_470 : memref<20000x128xf32, #tpu.memory_space<hbm>>) target(%arg9 : memref<400x128xf32, #tpu.memory_space<vmem>>) offsets(%dma_start3A_467 : memref<400xi32, #tpu.memory_space<vmem>>) semaphore(%arg11 : memref<!tpu.dma_semaphore, #tpu.memory_space<semaphore_mem>>) {add = true}
    %dma_wait3A_471 = arith.constant 0 : i32
    %dma_wait3A_472 = tpu.memref_slice %arg5[%add3A_456, %dma_wait3A_471] : memref<256000x128xf32, #tpu.memory_space<hbm>> -> memref<400x128xf32, #tpu.memory_space<hbm>>
    %dma_wait3A_473 = arith.constant 0 : i32
    %dma_wait3A_474 = tpu.memref_slice %arg5[%add3A_456, %dma_wait3A_473] : memref<256000x128xf32, #tpu.memory_space<hbm>> -> memref<400x128xf32, #tpu.memory_space<hbm>>
    tpu.wait_dma2 semaphore(%arg12 : memref<!tpu.dma_semaphore, #tpu.memory_space<semaphore_mem>>) src(%arg8 : memref<400x128xf32, #tpu.memory_space<vmem>>) dst(%dma_wait3A_474 : memref<400x128xf32, #tpu.memory_space<hbm>>)
    %dma_start3A_475 = arith.constant 6400 : i32
    %dma_start3A_476 = tpu.memref_slice %arg6[%dma_start3A_475] : memref<8000xi32, #tpu.memory_space<vmem>> -> memref<400xi32, #tpu.memory_space<vmem>>
    %dma_start3A_477 = arith.constant 0 : i32
    %dma_start3A_478 = arith.constant 0 : i32
    %dma_start3A_479 = tpu.memref_slice %arg2[%dma_start3A_477, %dma_start3A_478] : memref<20000x128xf32, #tpu.memory_space<hbm>> -> memref<20000x128xf32, #tpu.memory_space<hbm>>
    tpu.enqueue_indirect_dma source(%dma_start3A_479 : memref<20000x128xf32, #tpu.memory_space<hbm>>) target(%arg8 : memref<400x128xf32, #tpu.memory_space<vmem>>) offsets(%dma_start3A_476 : memref<400xi32, #tpu.memory_space<vmem>>) semaphore(%arg10 : memref<!tpu.dma_semaphore, #tpu.memory_space<semaphore_mem>>)
    %dma_wait3A_480 = arith.constant 6000 : i32
    %dma_wait3A_481 = tpu.memref_slice %arg7[%dma_wait3A_480] : memref<8000xi32, #tpu.memory_space<vmem>> -> memref<400xi32, #tpu.memory_space<vmem>>
    %dma_wait3A_482 = arith.constant 0 : i32
    %dma_wait3A_483 = arith.constant 0 : i32
    %dma_wait3A_484 = tpu.memref_slice %arg2[%dma_wait3A_482, %dma_wait3A_483] : memref<20000x128xf32, #tpu.memory_space<hbm>> -> memref<20000x128xf32, #tpu.memory_space<hbm>>
    tpu.wait_indirect_dma semaphore(%arg11 : memref<!tpu.dma_semaphore, #tpu.memory_space<semaphore_mem>>) src(%dma_wait3A_484 : memref<20000x128xf32, #tpu.memory_space<hbm>>) dst(%arg9 : memref<400x128xf32, #tpu.memory_space<vmem>>)
    %add3A_485 = arith.constant 6000 : i32
    %add3A_486 = arith.addi %multiple_of3A, %add3A_485 : i32
    %dma_start3A_487 = arith.constant 0 : i32
    %dma_start3A_488 = tpu.memref_slice %arg5[%add3A_486, %dma_start3A_487] : memref<256000x128xf32, #tpu.memory_space<hbm>> -> memref<400x128xf32, #tpu.memory_space<hbm>>
    %dma_start3A_489 = arith.constant 0 : i32
    %dma_start3A_490 = tpu.memref_slice %arg5[%add3A_486, %dma_start3A_489] : memref<256000x128xf32, #tpu.memory_space<hbm>> -> memref<400x128xf32, #tpu.memory_space<hbm>>
    tpu.enqueue_dma source(%arg9 : memref<400x128xf32, #tpu.memory_space<vmem>>) target(%dma_start3A_490 : memref<400x128xf32, #tpu.memory_space<hbm>>) target_semaphore(%arg13 : memref<!tpu.dma_semaphore, #tpu.memory_space<semaphore_mem>>)
    %dma_wait3A_491 = arith.constant 6400 : i32
    %dma_wait3A_492 = tpu.memref_slice %arg6[%dma_wait3A_491] : memref<8000xi32, #tpu.memory_space<vmem>> -> memref<400xi32, #tpu.memory_space<vmem>>
    %dma_wait3A_493 = arith.constant 0 : i32
    %dma_wait3A_494 = arith.constant 0 : i32
    %dma_wait3A_495 = tpu.memref_slice %arg2[%dma_wait3A_493, %dma_wait3A_494] : memref<20000x128xf32, #tpu.memory_space<hbm>> -> memref<20000x128xf32, #tpu.memory_space<hbm>>
    tpu.wait_indirect_dma semaphore(%arg10 : memref<!tpu.dma_semaphore, #tpu.memory_space<semaphore_mem>>) src(%dma_wait3A_495 : memref<20000x128xf32, #tpu.memory_space<hbm>>) dst(%arg8 : memref<400x128xf32, #tpu.memory_space<vmem>>)
    %dma_start3A_496 = arith.constant 6400 : i32
    %dma_start3A_497 = tpu.memref_slice %arg7[%dma_start3A_496] : memref<8000xi32, #tpu.memory_space<vmem>> -> memref<400xi32, #tpu.memory_space<vmem>>
    %dma_start3A_498 = arith.constant 0 : i32
    %dma_start3A_499 = arith.constant 0 : i32
    %dma_start3A_500 = tpu.memref_slice %arg2[%dma_start3A_498, %dma_start3A_499] : memref<20000x128xf32, #tpu.memory_space<hbm>> -> memref<20000x128xf32, #tpu.memory_space<hbm>>
    tpu.enqueue_indirect_dma source(%dma_start3A_500 : memref<20000x128xf32, #tpu.memory_space<hbm>>) target(%arg8 : memref<400x128xf32, #tpu.memory_space<vmem>>) offsets(%dma_start3A_497 : memref<400xi32, #tpu.memory_space<vmem>>) semaphore(%arg10 : memref<!tpu.dma_semaphore, #tpu.memory_space<semaphore_mem>>) {add = true}
    %dma_wait3A_501 = arith.constant 0 : i32
    %dma_wait3A_502 = tpu.memref_slice %arg5[%add3A_486, %dma_wait3A_501] : memref<256000x128xf32, #tpu.memory_space<hbm>> -> memref<400x128xf32, #tpu.memory_space<hbm>>
    %dma_wait3A_503 = arith.constant 0 : i32
    %dma_wait3A_504 = tpu.memref_slice %arg5[%add3A_486, %dma_wait3A_503] : memref<256000x128xf32, #tpu.memory_space<hbm>> -> memref<400x128xf32, #tpu.memory_space<hbm>>
    tpu.wait_dma2 semaphore(%arg13 : memref<!tpu.dma_semaphore, #tpu.memory_space<semaphore_mem>>) src(%arg9 : memref<400x128xf32, #tpu.memory_space<vmem>>) dst(%dma_wait3A_504 : memref<400x128xf32, #tpu.memory_space<hbm>>)
    %dma_start3A_505 = arith.constant 6800 : i32
    %dma_start3A_506 = tpu.memref_slice %arg6[%dma_start3A_505] : memref<8000xi32, #tpu.memory_space<vmem>> -> memref<400xi32, #tpu.memory_space<vmem>>
    %dma_start3A_507 = arith.constant 0 : i32
    %dma_start3A_508 = arith.constant 0 : i32
    %dma_start3A_509 = tpu.memref_slice %arg2[%dma_start3A_507, %dma_start3A_508] : memref<20000x128xf32, #tpu.memory_space<hbm>> -> memref<20000x128xf32, #tpu.memory_space<hbm>>
    tpu.enqueue_indirect_dma source(%dma_start3A_509 : memref<20000x128xf32, #tpu.memory_space<hbm>>) target(%arg9 : memref<400x128xf32, #tpu.memory_space<vmem>>) offsets(%dma_start3A_506 : memref<400xi32, #tpu.memory_space<vmem>>) semaphore(%arg11 : memref<!tpu.dma_semaphore, #tpu.memory_space<semaphore_mem>>)
    %dma_wait3A_510 = arith.constant 6400 : i32
    %dma_wait3A_511 = tpu.memref_slice %arg7[%dma_wait3A_510] : memref<8000xi32, #tpu.memory_space<vmem>> -> memref<400xi32, #tpu.memory_space<vmem>>
    %dma_wait3A_512 = arith.constant 0 : i32
    %dma_wait3A_513 = arith.constant 0 : i32
    %dma_wait3A_514 = tpu.memref_slice %arg2[%dma_wait3A_512, %dma_wait3A_513] : memref<20000x128xf32, #tpu.memory_space<hbm>> -> memref<20000x128xf32, #tpu.memory_space<hbm>>
    tpu.wait_indirect_dma semaphore(%arg10 : memref<!tpu.dma_semaphore, #tpu.memory_space<semaphore_mem>>) src(%dma_wait3A_514 : memref<20000x128xf32, #tpu.memory_space<hbm>>) dst(%arg8 : memref<400x128xf32, #tpu.memory_space<vmem>>)
    %add3A_515 = arith.constant 6400 : i32
    %add3A_516 = arith.addi %multiple_of3A, %add3A_515 : i32
    %dma_start3A_517 = arith.constant 0 : i32
    %dma_start3A_518 = tpu.memref_slice %arg5[%add3A_516, %dma_start3A_517] : memref<256000x128xf32, #tpu.memory_space<hbm>> -> memref<400x128xf32, #tpu.memory_space<hbm>>
    %dma_start3A_519 = arith.constant 0 : i32
    %dma_start3A_520 = tpu.memref_slice %arg5[%add3A_516, %dma_start3A_519] : memref<256000x128xf32, #tpu.memory_space<hbm>> -> memref<400x128xf32, #tpu.memory_space<hbm>>
    tpu.enqueue_dma source(%arg8 : memref<400x128xf32, #tpu.memory_space<vmem>>) target(%dma_start3A_520 : memref<400x128xf32, #tpu.memory_space<hbm>>) target_semaphore(%arg12 : memref<!tpu.dma_semaphore, #tpu.memory_space<semaphore_mem>>)
    %dma_wait3A_521 = arith.constant 6800 : i32
    %dma_wait3A_522 = tpu.memref_slice %arg6[%dma_wait3A_521] : memref<8000xi32, #tpu.memory_space<vmem>> -> memref<400xi32, #tpu.memory_space<vmem>>
    %dma_wait3A_523 = arith.constant 0 : i32
    %dma_wait3A_524 = arith.constant 0 : i32
    %dma_wait3A_525 = tpu.memref_slice %arg2[%dma_wait3A_523, %dma_wait3A_524] : memref<20000x128xf32, #tpu.memory_space<hbm>> -> memref<20000x128xf32, #tpu.memory_space<hbm>>
    tpu.wait_indirect_dma semaphore(%arg11 : memref<!tpu.dma_semaphore, #tpu.memory_space<semaphore_mem>>) src(%dma_wait3A_525 : memref<20000x128xf32, #tpu.memory_space<hbm>>) dst(%arg9 : memref<400x128xf32, #tpu.memory_space<vmem>>)
    %dma_start3A_526 = arith.constant 6800 : i32
    %dma_start3A_527 = tpu.memref_slice %arg7[%dma_start3A_526] : memref<8000xi32, #tpu.memory_space<vmem>> -> memref<400xi32, #tpu.memory_space<vmem>>
    %dma_start3A_528 = arith.constant 0 : i32
    %dma_start3A_529 = arith.constant 0 : i32
    %dma_start3A_530 = tpu.memref_slice %arg2[%dma_start3A_528, %dma_start3A_529] : memref<20000x128xf32, #tpu.memory_space<hbm>> -> memref<20000x128xf32, #tpu.memory_space<hbm>>
    tpu.enqueue_indirect_dma source(%dma_start3A_530 : memref<20000x128xf32, #tpu.memory_space<hbm>>) target(%arg9 : memref<400x128xf32, #tpu.memory_space<vmem>>) offsets(%dma_start3A_527 : memref<400xi32, #tpu.memory_space<vmem>>) semaphore(%arg11 : memref<!tpu.dma_semaphore, #tpu.memory_space<semaphore_mem>>) {add = true}
    %dma_wait3A_531 = arith.constant 0 : i32
    %dma_wait3A_532 = tpu.memref_slice %arg5[%add3A_516, %dma_wait3A_531] : memref<256000x128xf32, #tpu.memory_space<hbm>> -> memref<400x128xf32, #tpu.memory_space<hbm>>
    %dma_wait3A_533 = arith.constant 0 : i32
    %dma_wait3A_534 = tpu.memref_slice %arg5[%add3A_516, %dma_wait3A_533] : memref<256000x128xf32, #tpu.memory_space<hbm>> -> memref<400x128xf32, #tpu.memory_space<hbm>>
    tpu.wait_dma2 semaphore(%arg12 : memref<!tpu.dma_semaphore, #tpu.memory_space<semaphore_mem>>) src(%arg8 : memref<400x128xf32, #tpu.memory_space<vmem>>) dst(%dma_wait3A_534 : memref<400x128xf32, #tpu.memory_space<hbm>>)
    %dma_start3A_535 = arith.constant 7200 : i32
    %dma_start3A_536 = tpu.memref_slice %arg6[%dma_start3A_535] : memref<8000xi32, #tpu.memory_space<vmem>> -> memref<400xi32, #tpu.memory_space<vmem>>
    %dma_start3A_537 = arith.constant 0 : i32
    %dma_start3A_538 = arith.constant 0 : i32
    %dma_start3A_539 = tpu.memref_slice %arg2[%dma_start3A_537, %dma_start3A_538] : memref<20000x128xf32, #tpu.memory_space<hbm>> -> memref<20000x128xf32, #tpu.memory_space<hbm>>
    tpu.enqueue_indirect_dma source(%dma_start3A_539 : memref<20000x128xf32, #tpu.memory_space<hbm>>) target(%arg8 : memref<400x128xf32, #tpu.memory_space<vmem>>) offsets(%dma_start3A_536 : memref<400xi32, #tpu.memory_space<vmem>>) semaphore(%arg10 : memref<!tpu.dma_semaphore, #tpu.memory_space<semaphore_mem>>)
    %dma_wait3A_540 = arith.constant 6800 : i32
    %dma_wait3A_541 = tpu.memref_slice %arg7[%dma_wait3A_540] : memref<8000xi32, #tpu.memory_space<vmem>> -> memref<400xi32, #tpu.memory_space<vmem>>
    %dma_wait3A_542 = arith.constant 0 : i32
    %dma_wait3A_543 = arith.constant 0 : i32
    %dma_wait3A_544 = tpu.memref_slice %arg2[%dma_wait3A_542, %dma_wait3A_543] : memref<20000x128xf32, #tpu.memory_space<hbm>> -> memref<20000x128xf32, #tpu.memory_space<hbm>>
    tpu.wait_indirect_dma semaphore(%arg11 : memref<!tpu.dma_semaphore, #tpu.memory_space<semaphore_mem>>) src(%dma_wait3A_544 : memref<20000x128xf32, #tpu.memory_space<hbm>>) dst(%arg9 : memref<400x128xf32, #tpu.memory_space<vmem>>)
    %add3A_545 = arith.constant 6800 : i32
    %add3A_546 = arith.addi %multiple_of3A, %add3A_545 : i32
    %dma_start3A_547 = arith.constant 0 : i32
    %dma_start3A_548 = tpu.memref_slice %arg5[%add3A_546, %dma_start3A_547] : memref<256000x128xf32, #tpu.memory_space<hbm>> -> memref<400x128xf32, #tpu.memory_space<hbm>>
    %dma_start3A_549 = arith.constant 0 : i32
    %dma_start3A_550 = tpu.memref_slice %arg5[%add3A_546, %dma_start3A_549] : memref<256000x128xf32, #tpu.memory_space<hbm>> -> memref<400x128xf32, #tpu.memory_space<hbm>>
    tpu.enqueue_dma source(%arg9 : memref<400x128xf32, #tpu.memory_space<vmem>>) target(%dma_start3A_550 : memref<400x128xf32, #tpu.memory_space<hbm>>) target_semaphore(%arg13 : memref<!tpu.dma_semaphore, #tpu.memory_space<semaphore_mem>>)
    %dma_wait3A_551 = arith.constant 7200 : i32
    %dma_wait3A_552 = tpu.memref_slice %arg6[%dma_wait3A_551] : memref<8000xi32, #tpu.memory_space<vmem>> -> memref<400xi32, #tpu.memory_space<vmem>>
    %dma_wait3A_553 = arith.constant 0 : i32
    %dma_wait3A_554 = arith.constant 0 : i32
    %dma_wait3A_555 = tpu.memref_slice %arg2[%dma_wait3A_553, %dma_wait3A_554] : memref<20000x128xf32, #tpu.memory_space<hbm>> -> memref<20000x128xf32, #tpu.memory_space<hbm>>
    tpu.wait_indirect_dma semaphore(%arg10 : memref<!tpu.dma_semaphore, #tpu.memory_space<semaphore_mem>>) src(%dma_wait3A_555 : memref<20000x128xf32, #tpu.memory_space<hbm>>) dst(%arg8 : memref<400x128xf32, #tpu.memory_space<vmem>>)
    %dma_start3A_556 = arith.constant 7200 : i32
    %dma_start3A_557 = tpu.memref_slice %arg7[%dma_start3A_556] : memref<8000xi32, #tpu.memory_space<vmem>> -> memref<400xi32, #tpu.memory_space<vmem>>
    %dma_start3A_558 = arith.constant 0 : i32
    %dma_start3A_559 = arith.constant 0 : i32
    %dma_start3A_560 = tpu.memref_slice %arg2[%dma_start3A_558, %dma_start3A_559] : memref<20000x128xf32, #tpu.memory_space<hbm>> -> memref<20000x128xf32, #tpu.memory_space<hbm>>
    tpu.enqueue_indirect_dma source(%dma_start3A_560 : memref<20000x128xf32, #tpu.memory_space<hbm>>) target(%arg8 : memref<400x128xf32, #tpu.memory_space<vmem>>) offsets(%dma_start3A_557 : memref<400xi32, #tpu.memory_space<vmem>>) semaphore(%arg10 : memref<!tpu.dma_semaphore, #tpu.memory_space<semaphore_mem>>) {add = true}
    %dma_wait3A_561 = arith.constant 0 : i32
    %dma_wait3A_562 = tpu.memref_slice %arg5[%add3A_546, %dma_wait3A_561] : memref<256000x128xf32, #tpu.memory_space<hbm>> -> memref<400x128xf32, #tpu.memory_space<hbm>>
    %dma_wait3A_563 = arith.constant 0 : i32
    %dma_wait3A_564 = tpu.memref_slice %arg5[%add3A_546, %dma_wait3A_563] : memref<256000x128xf32, #tpu.memory_space<hbm>> -> memref<400x128xf32, #tpu.memory_space<hbm>>
    tpu.wait_dma2 semaphore(%arg13 : memref<!tpu.dma_semaphore, #tpu.memory_space<semaphore_mem>>) src(%arg9 : memref<400x128xf32, #tpu.memory_space<vmem>>) dst(%dma_wait3A_564 : memref<400x128xf32, #tpu.memory_space<hbm>>)
    %dma_start3A_565 = arith.constant 7600 : i32
    %dma_start3A_566 = tpu.memref_slice %arg6[%dma_start3A_565] : memref<8000xi32, #tpu.memory_space<vmem>> -> memref<400xi32, #tpu.memory_space<vmem>>
    %dma_start3A_567 = arith.constant 0 : i32
    %dma_start3A_568 = arith.constant 0 : i32
    %dma_start3A_569 = tpu.memref_slice %arg2[%dma_start3A_567, %dma_start3A_568] : memref<20000x128xf32, #tpu.memory_space<hbm>> -> memref<20000x128xf32, #tpu.memory_space<hbm>>
    tpu.enqueue_indirect_dma source(%dma_start3A_569 : memref<20000x128xf32, #tpu.memory_space<hbm>>) target(%arg9 : memref<400x128xf32, #tpu.memory_space<vmem>>) offsets(%dma_start3A_566 : memref<400xi32, #tpu.memory_space<vmem>>) semaphore(%arg11 : memref<!tpu.dma_semaphore, #tpu.memory_space<semaphore_mem>>)
    %dma_wait3A_570 = arith.constant 7200 : i32
    %dma_wait3A_571 = tpu.memref_slice %arg7[%dma_wait3A_570] : memref<8000xi32, #tpu.memory_space<vmem>> -> memref<400xi32, #tpu.memory_space<vmem>>
    %dma_wait3A_572 = arith.constant 0 : i32
    %dma_wait3A_573 = arith.constant 0 : i32
    %dma_wait3A_574 = tpu.memref_slice %arg2[%dma_wait3A_572, %dma_wait3A_573] : memref<20000x128xf32, #tpu.memory_space<hbm>> -> memref<20000x128xf32, #tpu.memory_space<hbm>>
    tpu.wait_indirect_dma semaphore(%arg10 : memref<!tpu.dma_semaphore, #tpu.memory_space<semaphore_mem>>) src(%dma_wait3A_574 : memref<20000x128xf32, #tpu.memory_space<hbm>>) dst(%arg8 : memref<400x128xf32, #tpu.memory_space<vmem>>)
    %add3A_575 = arith.constant 7200 : i32
    %add3A_576 = arith.addi %multiple_of3A, %add3A_575 : i32
    %dma_start3A_577 = arith.constant 0 : i32
    %dma_start3A_578 = tpu.memref_slice %arg5[%add3A_576, %dma_start3A_577] : memref<256000x128xf32, #tpu.memory_space<hbm>> -> memref<400x128xf32, #tpu.memory_space<hbm>>
    %dma_start3A_579 = arith.constant 0 : i32
    %dma_start3A_580 = tpu.memref_slice %arg5[%add3A_576, %dma_start3A_579] : memref<256000x128xf32, #tpu.memory_space<hbm>> -> memref<400x128xf32, #tpu.memory_space<hbm>>
    tpu.enqueue_dma source(%arg8 : memref<400x128xf32, #tpu.memory_space<vmem>>) target(%dma_start3A_580 : memref<400x128xf32, #tpu.memory_space<hbm>>) target_semaphore(%arg12 : memref<!tpu.dma_semaphore, #tpu.memory_space<semaphore_mem>>)
    %dma_wait3A_581 = arith.constant 7600 : i32
    %dma_wait3A_582 = tpu.memref_slice %arg6[%dma_wait3A_581] : memref<8000xi32, #tpu.memory_space<vmem>> -> memref<400xi32, #tpu.memory_space<vmem>>
    %dma_wait3A_583 = arith.constant 0 : i32
    %dma_wait3A_584 = arith.constant 0 : i32
    %dma_wait3A_585 = tpu.memref_slice %arg2[%dma_wait3A_583, %dma_wait3A_584] : memref<20000x128xf32, #tpu.memory_space<hbm>> -> memref<20000x128xf32, #tpu.memory_space<hbm>>
    tpu.wait_indirect_dma semaphore(%arg11 : memref<!tpu.dma_semaphore, #tpu.memory_space<semaphore_mem>>) src(%dma_wait3A_585 : memref<20000x128xf32, #tpu.memory_space<hbm>>) dst(%arg9 : memref<400x128xf32, #tpu.memory_space<vmem>>)
    %dma_start3A_586 = arith.constant 7600 : i32
    %dma_start3A_587 = tpu.memref_slice %arg7[%dma_start3A_586] : memref<8000xi32, #tpu.memory_space<vmem>> -> memref<400xi32, #tpu.memory_space<vmem>>
    %dma_start3A_588 = arith.constant 0 : i32
    %dma_start3A_589 = arith.constant 0 : i32
    %dma_start3A_590 = tpu.memref_slice %arg2[%dma_start3A_588, %dma_start3A_589] : memref<20000x128xf32, #tpu.memory_space<hbm>> -> memref<20000x128xf32, #tpu.memory_space<hbm>>
    tpu.enqueue_indirect_dma source(%dma_start3A_590 : memref<20000x128xf32, #tpu.memory_space<hbm>>) target(%arg9 : memref<400x128xf32, #tpu.memory_space<vmem>>) offsets(%dma_start3A_587 : memref<400xi32, #tpu.memory_space<vmem>>) semaphore(%arg11 : memref<!tpu.dma_semaphore, #tpu.memory_space<semaphore_mem>>) {add = true}
    %dma_wait3A_591 = arith.constant 0 : i32
    %dma_wait3A_592 = tpu.memref_slice %arg5[%add3A_576, %dma_wait3A_591] : memref<256000x128xf32, #tpu.memory_space<hbm>> -> memref<400x128xf32, #tpu.memory_space<hbm>>
    %dma_wait3A_593 = arith.constant 0 : i32
    %dma_wait3A_594 = tpu.memref_slice %arg5[%add3A_576, %dma_wait3A_593] : memref<256000x128xf32, #tpu.memory_space<hbm>> -> memref<400x128xf32, #tpu.memory_space<hbm>>
    tpu.wait_dma2 semaphore(%arg12 : memref<!tpu.dma_semaphore, #tpu.memory_space<semaphore_mem>>) src(%arg8 : memref<400x128xf32, #tpu.memory_space<vmem>>) dst(%dma_wait3A_594 : memref<400x128xf32, #tpu.memory_space<hbm>>)
    %dma_wait3A_595 = arith.constant 7600 : i32
    %dma_wait3A_596 = tpu.memref_slice %arg7[%dma_wait3A_595] : memref<8000xi32, #tpu.memory_space<vmem>> -> memref<400xi32, #tpu.memory_space<vmem>>
    %dma_wait3A_597 = arith.constant 0 : i32
    %dma_wait3A_598 = arith.constant 0 : i32
    %dma_wait3A_599 = tpu.memref_slice %arg2[%dma_wait3A_597, %dma_wait3A_598] : memref<20000x128xf32, #tpu.memory_space<hbm>> -> memref<20000x128xf32, #tpu.memory_space<hbm>>
    tpu.wait_indirect_dma semaphore(%arg11 : memref<!tpu.dma_semaphore, #tpu.memory_space<semaphore_mem>>) src(%dma_wait3A_599 : memref<20000x128xf32, #tpu.memory_space<hbm>>) dst(%arg9 : memref<400x128xf32, #tpu.memory_space<vmem>>)
    %add3A_600 = arith.constant 7600 : i32
    %add3A_601 = arith.addi %multiple_of3A, %add3A_600 : i32
    %dma_start3A_602 = arith.constant 0 : i32
    %dma_start3A_603 = tpu.memref_slice %arg5[%add3A_601, %dma_start3A_602] : memref<256000x128xf32, #tpu.memory_space<hbm>> -> memref<400x128xf32, #tpu.memory_space<hbm>>
    %dma_start3A_604 = arith.constant 0 : i32
    %dma_start3A_605 = tpu.memref_slice %arg5[%add3A_601, %dma_start3A_604] : memref<256000x128xf32, #tpu.memory_space<hbm>> -> memref<400x128xf32, #tpu.memory_space<hbm>>
    tpu.enqueue_dma source(%arg9 : memref<400x128xf32, #tpu.memory_space<vmem>>) target(%dma_start3A_605 : memref<400x128xf32, #tpu.memory_space<hbm>>) target_semaphore(%arg13 : memref<!tpu.dma_semaphore, #tpu.memory_space<semaphore_mem>>)
    %dma_wait3A_606 = arith.constant 0 : i32
    %dma_wait3A_607 = tpu.memref_slice %arg5[%add3A_601, %dma_wait3A_606] : memref<256000x128xf32, #tpu.memory_space<hbm>> -> memref<400x128xf32, #tpu.memory_space<hbm>>
    %dma_wait3A_608 = arith.constant 0 : i32
    %dma_wait3A_609 = tpu.memref_slice %arg5[%add3A_601, %dma_wait3A_608] : memref<256000x128xf32, #tpu.memory_space<hbm>> -> memref<400x128xf32, #tpu.memory_space<hbm>>
    tpu.wait_dma2 semaphore(%arg13 : memref<!tpu.dma_semaphore, #tpu.memory_space<semaphore_mem>>) src(%arg9 : memref<400x128xf32, #tpu.memory_space<vmem>>) dst(%dma_wait3A_609 : memref<400x128xf32, #tpu.memory_space<hbm>>)
    return
  }
}

module attributes {stable_mosaic.version = 14 : i64} {
  func.func @_tail_body_aliased(%arg0: i32, %arg1: memref<16x320000xf32, #tpu.memory_space<any>>, %arg2: memref<6400x128xf32, #tpu.memory_space<vmem>>, %arg3: memref<16x6400xf32, #tpu.memory_space<vmem>>, %arg4: memref<16x128xf32, #tpu.memory_space<vmem>>, %arg5: memref<1x128xf32, #tpu.memory_space<vmem>>, %arg6: memref<128x16xf32, #tpu.memory_space<vmem>>, %arg7: memref<16x1xf32, #tpu.memory_space<vmem>>, %arg8: memref<16x6400xf32, #tpu.memory_space<vmem>>) attributes {dimension_semantics = [#tpu.dimension_semantics<arbitrary>], iteration_bounds = array<i64: 10>, scalar_prefetch = 0 : i64, scratch_operands = 0 : i64, tpu.core_type = #tpu.core_type<tc>, window_params = [{}, {transform_indices = @transform_1, window_bounds = array<i64: 6400, 128>}, {transform_indices = @transform_2, window_bounds = array<i64: 16, 6400>}, {pipeline_mode = #tpu.pipeline_mode<synchronous>, transform_indices = @transform_3, window_bounds = array<i64: 16, 128>}, {pipeline_mode = #tpu.pipeline_mode<synchronous>, transform_indices = @transform_4, window_bounds = array<i64: 1, 128>}, {pipeline_mode = #tpu.pipeline_mode<synchronous>, transform_indices = @transform_5, window_bounds = array<i64: 128, 16>}, {pipeline_mode = #tpu.pipeline_mode<synchronous>, transform_indices = @transform_6, window_bounds = array<i64: 16, 1>}, {transform_indices = @transform_7, window_bounds = array<i64: 16, 6400>}]} {
    %get3A = arith.constant 0 : index
    %get3A_0 = arith.constant 0 : index
    %get3A_1 = vector.load %arg2[%get3A, %get3A_0] : memref<6400x128xf32, #tpu.memory_space<vmem>>, vector<6400x128xf32>
    %get3A_2 = arith.constant 0 : index
    %get3A_3 = arith.constant 0 : index
    %get3A_4 = vector.load %arg3[%get3A_2, %get3A_3] : memref<16x6400xf32, #tpu.memory_space<vmem>>, vector<16x6400xf32>
    %get3A_5 = arith.constant 0 : index
    %get3A_6 = arith.constant 0 : index
    %get3A_7 = vector.load %arg4[%get3A_5, %get3A_6] : memref<16x128xf32, #tpu.memory_space<vmem>>, vector<16x128xf32>
    %dot_general3A = arith.constant dense<0.000000e+00> : vector<6400x128xf32>
    %dot_general3A_8 = tpu.matmul %get3A_4, %get3A_7, %dot_general3A {dimension_numbers = #tpu.dot_dimension_numbers<[0], [0], [1], [1], [0, 1, 1, 1], [], []>, transpose_lhs_hint = false} : vector<16x6400xf32>, vector<16x128xf32>, vector<6400x128xf32> -> vector<6400x128xf32>
    %add3A = arith.addf %get3A_1, %dot_general3A_8 : vector<6400x128xf32>
    %get3A_9 = arith.constant 0 : index
    %get3A_10 = arith.constant 0 : index
    %get3A_11 = vector.load %arg5[%get3A_9, %get3A_10] : memref<1x128xf32, #tpu.memory_space<vmem>>, vector<1x128xf32>
    %add3A_12 = vector.broadcast %get3A_11 : vector<1x128xf32> to vector<6400x128xf32>
    %add3A_13 = arith.addf %add3A, %add3A_12 : vector<6400x128xf32>
    %logistic3A = arith.negf %add3A_13 : vector<6400x128xf32>
    %logistic3A_14 = math.exp %logistic3A : vector<6400x128xf32>
    %logistic3A_15 = arith.constant 1.000000e+00 : f32
    %logistic3A_16 = vector.broadcast %logistic3A_15 : f32 to vector<6400x128xf32>
    %logistic3A_17 = arith.addf %logistic3A_16, %logistic3A_14 : vector<6400x128xf32>
    %logistic3A_18 = arith.divf %logistic3A_16, %logistic3A_17 : vector<6400x128xf32>
    %mul3A = arith.mulf %add3A_13, %logistic3A_18 : vector<6400x128xf32>
    %get3A_19 = arith.constant 0 : index
    %get3A_20 = arith.constant 0 : index
    %get3A_21 = vector.load %arg6[%get3A_19, %get3A_20] : memref<128x16xf32, #tpu.memory_space<vmem>>, vector<128x16xf32>
    %dot_general3A_22 = arith.constant dense<0.000000e+00> : vector<16x6400xf32>
    %dot_general3A_23 = tpu.matmul %get3A_21, %mul3A, %dot_general3A_22 {dimension_numbers = #tpu.dot_dimension_numbers<[0], [1], [1], [0], [0, 1, 1, 0], [], []>, transpose_lhs_hint = false} : vector<128x16xf32>, vector<6400x128xf32>, vector<16x6400xf32> -> vector<16x6400xf32>
    %get3A_24 = arith.constant 0 : index
    %get3A_25 = arith.constant 0 : index
    %get3A_26 = vector.load %arg7[%get3A_24, %get3A_25] : memref<16x1xf32, #tpu.memory_space<vmem>>, vector<16x1xf32>
    %add3A_27 = vector.broadcast %get3A_26 : vector<16x1xf32> to vector<16x6400xf32>
    %add3A_28 = arith.addf %dot_general3A_23, %add3A_27 : vector<16x6400xf32>
    %swap3A = arith.constant 0 : index
    %swap3A_29 = arith.constant 0 : index
    %swap3A_30 = vector.load %arg8[%swap3A, %swap3A_29] : memref<16x6400xf32, #tpu.memory_space<vmem>>, vector<16x6400xf32>
    tpu.vector_store %arg8[%swap3A, %swap3A_29], %add3A_28 {strides = array<i32>} : memref<16x6400xf32, #tpu.memory_space<vmem>>, vector<16x6400xf32>,
    return
  }
  func.func @transform_1(%arg0: i32) -> (i32, i32) {
    %c0_i32 = arith.constant 0 : i32
    %c0_i32_0 = arith.constant 0 : i32
    return %arg0, %c0_i32 : i32, i32
  }
  func.func @transform_2(%arg0: i32) -> (i32, i32) {
    %add3A = arith.constant 40 : i32
    %add3A_0 = arith.addi %add3A, %arg0 : i32
    %c0_i32 = arith.constant 0 : i32
    %c0_i32_1 = arith.constant 0 : i32
    return %c0_i32, %add3A_0 : i32, i32
  }
  func.func @transform_3(%arg0: i32) -> (i32, i32) {
    %c0_i32 = arith.constant 0 : i32
    %c0_i32_0 = arith.constant 0 : i32
    %c0_i32_1 = arith.constant 0 : i32
    return %c0_i32, %c0_i32_0 : i32, i32
  }
  func.func @transform_4(%arg0: i32) -> (i32, i32) {
    %c0_i32 = arith.constant 0 : i32
    %c0_i32_0 = arith.constant 0 : i32
    %c0_i32_1 = arith.constant 0 : i32
    return %c0_i32, %c0_i32_0 : i32, i32
  }
  func.func @transform_5(%arg0: i32) -> (i32, i32) {
    %c0_i32 = arith.constant 0 : i32
    %c0_i32_0 = arith.constant 0 : i32
    %c0_i32_1 = arith.constant 0 : i32
    return %c0_i32, %c0_i32_0 : i32, i32
  }
  func.func @transform_6(%arg0: i32) -> (i32, i32) {
    %c0_i32 = arith.constant 0 : i32
    %c0_i32_0 = arith.constant 0 : i32
    %c0_i32_1 = arith.constant 0 : i32
    return %c0_i32, %c0_i32_0 : i32, i32
  }
  func.func @transform_7(%arg0: i32) -> (i32, i32) {
    %add3A = arith.constant 40 : i32
    %add3A_0 = arith.addi %add3A, %arg0 : i32
    %c0_i32 = arith.constant 0 : i32
    %c0_i32_1 = arith.constant 0 : i32
    return %c0_i32, %add3A_0 : i32, i32
  }
}

module attributes {stable_mosaic.version = 14 : i64} {
  func.func @_tables_body(%arg0: i32, %arg1: i32, %arg2: memref<1000x128xf32, #tpu.memory_space<vmem>>, %arg3: memref<128x128xf32, #tpu.memory_space<vmem>>, %arg4: memref<1000x128xf32, #tpu.memory_space<vmem>>) attributes {dimension_semantics = [#tpu.dimension_semantics<arbitrary>, #tpu.dimension_semantics<arbitrary>], iteration_bounds = array<i64: 2, 10>, scalar_prefetch = 0 : i64, scratch_operands = 0 : i64, tpu.core_type = #tpu.core_type<tc>, window_params = [{transform_indices = @transform_0, window_bounds = array<i64: 1000, 128>}, {transform_indices = @transform_1, window_bounds = array<i64: 128, 128>}, {transform_indices = @transform_2, window_bounds = array<i64: 1000, 128>}]} {
    %get3A = arith.constant 0 : index
    %get3A_0 = arith.constant 0 : index
    %get3A_1 = vector.load %arg2[%get3A, %get3A_0] : memref<1000x128xf32, #tpu.memory_space<vmem>>, vector<1000x128xf32>
    %convert_element_type3A = arith.truncf %get3A_1 : vector<1000x128xf32> to vector<1000x128xbf16>
    %get3A_2 = arith.constant 0 : index
    %get3A_3 = arith.constant 0 : index
    %get3A_4 = vector.load %arg3[%get3A_2, %get3A_3] : memref<128x128xf32, #tpu.memory_space<vmem>>, vector<128x128xf32>
    %convert_element_type3A_5 = arith.truncf %get3A_4 : vector<128x128xf32> to vector<128x128xbf16>
    %dot_general3A = arith.constant dense<0.000000e+00> : vector<1000x128xf32>
    %dot_general3A_6 = tpu.matmul %convert_element_type3A, %convert_element_type3A_5, %dot_general3A {dimension_numbers = #tpu.dot_dimension_numbers<[1], [0], [0], [1], [0, 0, 1, 1], [], []>, transpose_lhs_hint = false} : vector<1000x128xbf16>, vector<128x128xbf16>, vector<1000x128xf32> -> vector<1000x128xf32>
    %swap3A = arith.constant 0 : index
    %swap3A_7 = arith.constant 0 : index
    %swap3A_8 = vector.load %arg4[%swap3A, %swap3A_7] : memref<1000x128xf32, #tpu.memory_space<vmem>>, vector<1000x128xf32>
    tpu.vector_store %arg4[%swap3A, %swap3A_7], %dot_general3A_6 {strides = array<i32>} : memref<1000x128xf32, #tpu.memory_space<vmem>>, vector<1000x128xf32>,
    return
  }
  func.func @transform_0(%arg0: i32, %arg1: i32) -> (i32, i32) {
    %c0_i32 = arith.constant 0 : i32
    %c0_i32_0 = arith.constant 0 : i32
    return %arg1, %c0_i32 : i32, i32
  }
  func.func @transform_1(%arg0: i32, %arg1: i32) -> (i32, i32) {
    %c0_i32 = arith.constant 0 : i32
    %c0_i32_0 = arith.constant 0 : i32
    return %arg0, %c0_i32 : i32, i32
  }
  func.func @transform_2(%arg0: i32, %arg1: i32) -> (i32, i32) {
    %mul3A = arith.constant 10 : i32
    %mul3A_0 = arith.muli %arg0, %mul3A : i32
    %add3A = arith.addi %mul3A_0, %arg1 : i32
    %c0_i32 = arith.constant 0 : i32
    %c0_i32_1 = arith.constant 0 : i32
    return %add3A, %c0_i32 : i32, i32
  }
}

module attributes {stable_mosaic.version = 14 : i64} {
  func.func @_tail_body(%arg0: i32, %arg1: memref<6400x128xf32, #tpu.memory_space<vmem>>, %arg2: memref<16x6400xf32, #tpu.memory_space<vmem>>, %arg3: memref<16x128xf32, #tpu.memory_space<vmem>>, %arg4: memref<1x128xf32, #tpu.memory_space<vmem>>, %arg5: memref<128x16xf32, #tpu.memory_space<vmem>>, %arg6: memref<16x1xf32, #tpu.memory_space<vmem>>, %arg7: memref<16x6400xf32, #tpu.memory_space<vmem>>) attributes {dimension_semantics = [#tpu.dimension_semantics<arbitrary>], iteration_bounds = array<i64: 40>, scalar_prefetch = 0 : i64, scratch_operands = 0 : i64, tpu.core_type = #tpu.core_type<tc>, window_params = [{transform_indices = @transform_0, window_bounds = array<i64: 6400, 128>}, {transform_indices = @transform_1, window_bounds = array<i64: 16, 6400>}, {pipeline_mode = #tpu.pipeline_mode<synchronous>, transform_indices = @transform_2, window_bounds = array<i64: 16, 128>}, {pipeline_mode = #tpu.pipeline_mode<synchronous>, transform_indices = @transform_3, window_bounds = array<i64: 1, 128>}, {pipeline_mode = #tpu.pipeline_mode<synchronous>, transform_indices = @transform_4, window_bounds = array<i64: 128, 16>}, {pipeline_mode = #tpu.pipeline_mode<synchronous>, transform_indices = @transform_5, window_bounds = array<i64: 16, 1>}, {transform_indices = @transform_6, window_bounds = array<i64: 16, 6400>}]} {
    %get3A = arith.constant 0 : index
    %get3A_0 = arith.constant 0 : index
    %get3A_1 = vector.load %arg1[%get3A, %get3A_0] : memref<6400x128xf32, #tpu.memory_space<vmem>>, vector<6400x128xf32>
    %get3A_2 = arith.constant 0 : index
    %get3A_3 = arith.constant 0 : index
    %get3A_4 = vector.load %arg2[%get3A_2, %get3A_3] : memref<16x6400xf32, #tpu.memory_space<vmem>>, vector<16x6400xf32>
    %get3A_5 = arith.constant 0 : index
    %get3A_6 = arith.constant 0 : index
    %get3A_7 = vector.load %arg3[%get3A_5, %get3A_6] : memref<16x128xf32, #tpu.memory_space<vmem>>, vector<16x128xf32>
    %dot_general3A = arith.constant dense<0.000000e+00> : vector<6400x128xf32>
    %dot_general3A_8 = tpu.matmul %get3A_4, %get3A_7, %dot_general3A {dimension_numbers = #tpu.dot_dimension_numbers<[0], [0], [1], [1], [0, 1, 1, 1], [], []>, transpose_lhs_hint = false} : vector<16x6400xf32>, vector<16x128xf32>, vector<6400x128xf32> -> vector<6400x128xf32>
    %add3A = arith.addf %get3A_1, %dot_general3A_8 : vector<6400x128xf32>
    %get3A_9 = arith.constant 0 : index
    %get3A_10 = arith.constant 0 : index
    %get3A_11 = vector.load %arg4[%get3A_9, %get3A_10] : memref<1x128xf32, #tpu.memory_space<vmem>>, vector<1x128xf32>
    %add3A_12 = vector.broadcast %get3A_11 : vector<1x128xf32> to vector<6400x128xf32>
    %add3A_13 = arith.addf %add3A, %add3A_12 : vector<6400x128xf32>
    %logistic3A = arith.negf %add3A_13 : vector<6400x128xf32>
    %logistic3A_14 = math.exp %logistic3A : vector<6400x128xf32>
    %logistic3A_15 = arith.constant 1.000000e+00 : f32
    %logistic3A_16 = vector.broadcast %logistic3A_15 : f32 to vector<6400x128xf32>
    %logistic3A_17 = arith.addf %logistic3A_16, %logistic3A_14 : vector<6400x128xf32>
    %logistic3A_18 = arith.divf %logistic3A_16, %logistic3A_17 : vector<6400x128xf32>
    %mul3A = arith.mulf %add3A_13, %logistic3A_18 : vector<6400x128xf32>
    %get3A_19 = arith.constant 0 : index
    %get3A_20 = arith.constant 0 : index
    %get3A_21 = vector.load %arg5[%get3A_19, %get3A_20] : memref<128x16xf32, #tpu.memory_space<vmem>>, vector<128x16xf32>
    %dot_general3A_22 = arith.constant dense<0.000000e+00> : vector<16x6400xf32>
    %dot_general3A_23 = tpu.matmul %get3A_21, %mul3A, %dot_general3A_22 {dimension_numbers = #tpu.dot_dimension_numbers<[0], [1], [1], [0], [0, 1, 1, 0], [], []>, transpose_lhs_hint = false} : vector<128x16xf32>, vector<6400x128xf32>, vector<16x6400xf32> -> vector<16x6400xf32>
    %get3A_24 = arith.constant 0 : index
    %get3A_25 = arith.constant 0 : index
    %get3A_26 = vector.load %arg6[%get3A_24, %get3A_25] : memref<16x1xf32, #tpu.memory_space<vmem>>, vector<16x1xf32>
    %add3A_27 = vector.broadcast %get3A_26 : vector<16x1xf32> to vector<16x6400xf32>
    %add3A_28 = arith.addf %dot_general3A_23, %add3A_27 : vector<16x6400xf32>
    %swap3A = arith.constant 0 : index
    %swap3A_29 = arith.constant 0 : index
    %swap3A_30 = vector.load %arg7[%swap3A, %swap3A_29] : memref<16x6400xf32, #tpu.memory_space<vmem>>, vector<16x6400xf32>
    tpu.vector_store %arg7[%swap3A, %swap3A_29], %add3A_28 {strides = array<i32>} : memref<16x6400xf32, #tpu.memory_space<vmem>>, vector<16x6400xf32>,
    return
  }
  func.func @transform_0(%arg0: i32) -> (i32, i32) {
    %c0_i32 = arith.constant 0 : i32
    %c0_i32_0 = arith.constant 0 : i32
    return %arg0, %c0_i32 : i32, i32
  }
  func.func @transform_1(%arg0: i32) -> (i32, i32) {
    %add3A = arith.constant 0 : i32
    %add3A_0 = arith.addi %add3A, %arg0 : i32
    %c0_i32 = arith.constant 0 : i32
    %c0_i32_1 = arith.constant 0 : i32
    return %c0_i32, %add3A_0 : i32, i32
  }
  func.func @transform_2(%arg0: i32) -> (i32, i32) {
    %c0_i32 = arith.constant 0 : i32
    %c0_i32_0 = arith.constant 0 : i32
    %c0_i32_1 = arith.constant 0 : i32
    return %c0_i32, %c0_i32_0 : i32, i32
  }
  func.func @transform_3(%arg0: i32) -> (i32, i32) {
    %c0_i32 = arith.constant 0 : i32
    %c0_i32_0 = arith.constant 0 : i32
    %c0_i32_1 = arith.constant 0 : i32
    return %c0_i32, %c0_i32_0 : i32, i32
  }
  func.func @transform_4(%arg0: i32) -> (i32, i32) {
    %c0_i32 = arith.constant 0 : i32
    %c0_i32_0 = arith.constant 0 : i32
    %c0_i32_1 = arith.constant 0 : i32
    return %c0_i32, %c0_i32_0 : i32, i32
  }
  func.func @transform_5(%arg0: i32) -> (i32, i32) {
    %c0_i32 = arith.constant 0 : i32
    %c0_i32_0 = arith.constant 0 : i32
    %c0_i32_1 = arith.constant 0 : i32
    return %c0_i32, %c0_i32_0 : i32, i32
  }
  func.func @transform_6(%arg0: i32) -> (i32, i32) {
    %add3A = arith.constant 0 : i32
    %add3A_0 = arith.addi %add3A, %arg0 : i32
    %c0_i32 = arith.constant 0 : i32
    %c0_i32_1 = arith.constant 0 : i32
    return %c0_i32, %add3A_0 : i32, i32
  }
}

</mosaic_0001>

<sc_bundles>
// kernel: kernel.10.cloned.1.call-start
scs
__scs_entry_jumppad:
0x0: {  	(pc) =	sbr.rel $0x88, $3  }
0x1: {  	(tag) =	ssettag $0x0;
	lr =	simm.s32 $0x1  }
0x2: {  	[smem:$0x3F9A] =	sst lr;
	_ =	strace $0xD0000000  }
0x3: {  	_ = 	snop  }
0x4: {  	_ = 	snop  }
0x5: {  	_ = 	snop  }
0x6: {  	_ = 	snop  }
0x7: {  	_ = 	snop  }
__scs_overlays_trampoline_lowered:
0x8: {  	[smem:$0x3FA9] =	sst s0  }
0x9: {  	[smem:$0x3FAA] =	sst s1  }
0xa: {  	[smem:$0x3FAB] =	sst s2  }
0xb: {  	[smem:$0x3FAC] =	sst s3  }
0xc: {  	[smem:$0x3FAD] =	sst s4  }
0xd: {  	[smem:$0x3FAE] =	sst s5  }
0xe: {  	[smem:$0x3FAF] =	sst s6  }
0xf: {  	[smem:$0x3FB0] =	sst s7  }
0x10: {  	[smem:$0x3FB1] =	sst s8  }
0x11: {  	[smem:$0x3FB2] =	sst s9;
	s0 =	simm.s32 @!p0 $0x0  }
0x12: {  	s1 =	sld [smem:$0x3F98];
	s0 =	simm.s32 @p0 $0x1  }
0x13: {  	[smem:$0x3FB3] =	sst s0;
	s0 =	simm.s32 @!p1 $0x0  }
0x14: {  	s2 =	sld [smem:$0x3F97];
	s0 =	simm.s32 @p1 $0x1  }
0x15: {  	[smem:$0x3FB4] =	sst s0;
	s0 =	simm.s32 @!p2 $0x0  }
0x16: {  	s3 =	sld [smem:$0x3FDB];
	s0 =	simm.s32 @p2 $0x1  }
0x17: {  	s4 =	simm.s32 $0x1BF5;
	[smem:$0x3FB6] =	sst s0  }
0x18: {  	s0 =	sld [smem:$0x3F99];
	_ =	swait.ge [sflag:s4], $0x0  }
0x19: {  	s7 =	sld [smem:$0x3F9A]  }
0x1a: {  	s8 =	sadd.s32 $0xFFFFE003, lr  }
0x1b: {  	s9 =	sadd.s32 $0xFFFFFEF7, lr;
	s5 =	simm.s32 $0xFFFFFFFF;
	p2 =	slt.u32 s8, $0xFFFFF086  }
0x1c: {  	p1 =	slt.u32 s9, $0xF7A;
	s5 =	simm.s32 @!p2 $0x0  }
0x1d: {  	s5 =	simm.s32 @p1 $0x1;
	p0 =	seq.s32 s7, s2  }
0x1e: {  	s7 =	smul.u32 @!p0 $0xF7A, s2;
	p2 =	seq.s32 @!p0 s5, $0x0  }
0x1f: {  	s9 =	smul.u32 $0xF7A, s1;
	s8 =	simm.s32 @!p0 $0x1BF5;
	p2 =	por !p2, p0  }
0x20: {  	[sflag:s8] =	ssyncset.s32 @!p0 $0xFFFFF086;
	s6 =	sadd.s32 @!p0 s3, s7;
	s7 =	simm.s32 @!p0 $0x108  }
0x21: {  	s3 =	sadd.s32 s3, s9;
	s6 =	sadd.s32 @!p0 $0x88, s6;
	s7 =	simm.s32 @p2 $0x1082  }
0x22: {  	[simem:s7], [sflag:s8] =	dma.local @!p0 [hbm:s6], $0xF7A  }
0x23: {  	s9 =	sor.u32 $0xD0000000, s2;
	s6 =	simm.s32 $0x108;
	_ =	swait.ge @!p0 [sflag:s8], $0x0  }
0x24: {  	s3 =	sadd.s32 $0x88, s3;
	s6 =	simm.s32 @!p1 $0x1082;
	[sflag:s4] =	ssyncset.s32 $0xFFFFF086  }
0x25: {  	[simem:s6], [sflag:s4] =	dma.local [hbm:s3], $0xF7A  }
0x26: {  	[smem:$0x3F9A] =	sst s1;
	(tag) =	ssettag s2;
	_ =	strace s9  }
0x27: {  	s1 =	sld [smem:$0x3FAA]  }
0x28: {  	s2 =	sld [smem:$0x3FAB]  }
0x29: {  	s4 =	sld [smem:$0x3FAD]  }
0x2a: {  	p0 =	seq.s32 s5, $0x0;
	s5 =	sld [smem:$0x3FAE]  }
0x2b: {  	s6 =	sld [smem:$0x3FAF]  }
0x2c: {  	s7 =	sld [smem:$0x3FB0]  }
0x2d: {  	s3 =	simm.s32 $0x108;
	s8 =	sld [smem:$0x3FB1]  }
0x2e: {  	s3 =	simm.s32 @!p0 $0x1082;
	s9 =	sld [smem:$0x3FB2]  }
0x2f: {  	lr =	sadd.s32 s0, s3;
	s0 =	sld [smem:$0x3FA9]  }
0x30: {  	s3 =	sld [smem:$0x3FAC]  }
0x31: {  	[smem:$0x3FB5] =	sst s10  }
0x32: {  	s10 =	sld [smem:$0x3FB3];
	_ =	sdelay $0x3  }
0x33: {  	p0 =	seq.s32 s10, $0x1;
	s10 =	sld [smem:$0x3FB5];
	_ =	sdelay $0x3  }
0x34: {  	[smem:$0x3FB5] =	sst s10  }
0x35: {  	s10 =	sld [smem:$0x3FB4];
	_ =	sdelay $0x3  }
0x36: {  	p1 =	seq.s32 s10, $0x1;
	s10 =	sld [smem:$0x3FB5];
	_ =	sdelay $0x3  }
0x37: {  	[smem:$0x3FB5] =	sst s10  }
0x38: {  	s10 =	sld [smem:$0x3FB6]  }
0x39: {  	_ = 	snop;
	(pc) =	sbr.ind lr, $3  }
0x3a: {  	_ = 	snop  }
0x3b: {  	_ = 	snop  }
0x3c: {  	p2 =	seq.s32 s10, $0x1;
	s10 =	sld [smem:$0x3FB5]  }
0x3d: {  	_ =	shalt  }
0x3e: {  	_ =	shalt  }
0x3f: {  	_ =	shalt  }
0x40: {  	_ =	shalt  }
0x41: {  	_ =	shalt  }
0x42: {  	_ =	shalt  }
0x43: {  	_ =	shalt  }
0x44: {  	_ =	shalt  }
0x45: {  	_ =	shalt  }
0x46: {  	_ =	shalt  }
0x47: {  	_ =	shalt  }
0x48: {  	_ =	shalt  }
0x49: {  	_ =	shalt  }
0x4a: {  	_ =	shalt  }
0x4b: {  	_ =	shalt  }
0x4c: {  	_ =	shalt  }
0x4d: {  	_ =	shalt  }
0x4e: {  	_ =	shalt  }
0x4f: {  	_ =	shalt  }
0x50: {  	_ =	shalt  }
0x51: {  	_ =	shalt  }
0x52: {  	_ =	shalt  }
0x53: {  	_ =	shalt  }
0x54: {  	_ =	shalt  }
0x55: {  	_ =	shalt  }
0x56: {  	_ =	shalt  }
0x57: {  	_ =	shalt  }
0x58: {  	_ =	shalt  }
0x59: {  	_ =	shalt  }
0x5a: {  	_ =	shalt  }
0x5b: {  	_ =	shalt  }
0x5c: {  	_ =	shalt  }
0x5d: {  	_ =	shalt  }
0x5e: {  	_ =	shalt  }
0x5f: {  	_ =	shalt  }
0x60: {  	_ =	shalt  }
0x61: {  	_ =	shalt  }
0x62: {  	_ =	shalt  }
0x63: {  	_ =	shalt  }
0x64: {  	_ =	shalt  }
0x65: {  	_ =	shalt  }
0x66: {  	_ =	shalt  }
0x67: {  	_ =	shalt  }
0x68: {  	_ =	shalt  }
0x69: {  	_ =	shalt  }
0x6a: {  	_ =	shalt  }
0x6b: {  	_ =	shalt  }
0x6c: {  	_ =	shalt  }
0x6d: {  	_ =	shalt  }
0x6e: {  	_ =	shalt  }
0x6f: {  	_ =	shalt  }
0x70: {  	_ =	shalt  }
0x71: {  	_ =	shalt  }
0x72: {  	_ =	shalt  }
0x73: {  	_ =	shalt  }
0x74: {  	_ =	shalt  }
0x75: {  	_ =	shalt  }
0x76: {  	_ =	shalt  }
0x77: {  	_ =	shalt  }
0x78: {  	_ =	shalt  }
0x79: {  	_ =	shalt  }
0x7a: {  	_ =	shalt  }
0x7b: {  	_ =	shalt  }
0x7c: {  	_ =	shalt  }
0x7d: {  	_ =	shalt  }
0x7e: {  	_ =	shalt  }
0x7f: {  	_ =	shalt  }
0x80: {  	_ =	shalt  }
0x81: {  	_ =	shalt  }
0x82: {  	_ =	shalt  }
0x83: {  	_ =	shalt  }
0x84: {  	_ =	shalt  }
0x85: {  	_ =	shalt  }
0x86: {  	_ =	shalt  }
0x87: {  	_ =	shalt  }
.Lfunc_end0:
.L_simem_size_0:
called_computation.1_lowered:
.L_overlay_start_0:
0x88: {  	s2 =	sld [smem:$0x3FD9]  }
0x89: {  	s3 =	sld [smem:$0x3FFE];
	_ =	sdelay $0x1  }
0x8a: {  	s1 =	srdreg.scid  }
0x8b: {  	s0 =	sand.u32 $0x1, s1  }
0x8c: {  	s17 =	sshll.u32 s0, $0xA;
	s2 =	sadd.s32 s3, s2  }
0x8d: {  	s2 =	sadd.s32 s2, s17  }
0x8e: {  	[smem:$0x3FC1] =	sst s2  }
0x8f: {  	_ = 	snop  }
0x90: {  	(tm) =	ssettm $0x1  }
0x91: {  	s18 =	sld [smem:$0x3FFB];
	_ =	sdelay $0x3  }
0x92: {  	_ =	strace s18  }
0x93: {  	s2 =	sld [smem:$0x3FFC];
	_ =	sdelay $0x3  }
0x94: {  	_ =	strace s2  }
0x95: {  	s2 =	sld [smem:$0x3FFD];
	_ =	sdelay $0x3  }
0x96: {  	_ =	strace s2  }
0x97: {  	_ =	strace $0x8FFFFFFF  }
0x98: {  	s19 =	sld [smem:$0x3FDB];
	_ =	sdelay $0x1  }
0x99: {  	s20 =	simm.s32 $_scs_section_size  }
0x9a: {  	s4 =	simm.s32 $_size__tile_overlayer_lowered;
	s5 =	simm.s32 $_tile_overlayer_lowered  }
0x9b: {  	s6 =	simm.s32 $0x1BFF;
	s21 =	sshll.u32 s5, $0x1;
	s3 =	sadd.s32 s20, s19  }
0x9c: {  	s22 =	simm.s32 $0x0;
	s4 =	sshll.u32 s4, $0x1;
	s5 =	sadd.s32 s21, s3  }
0x9d: {  	[timem:s22], [sflag:s6] =	dma.local [hbm:s5], s4  }
0x9e: {  	_ =	swait.ge [sflag:s6], s4  }
0x9f: {  	s4 =	ssub.s32 $0x0, s4;
	[sflag:s6] =	ssyncset.done $0x0  }
0xa0: {  	[sflag:s6] =	ssyncadd.s32 s4;
	_ =	sdelay $0x1  }
0xa1: {  	s23 =	simm.s32 $0x1B8B  }
0xa2: {  	_ =	swait.ge [sflag:s23], $0x1  }
0xa3: {  	[sflag:s23] =	ssyncset.done $0x0  }
0xa4: {  	[sflag:s23] =	ssyncadd.s32 $0xFFFFFFFF  }
0xa5: {  	s4 =	sld [smem:$0x0]  }
0xa6: {  	s5 =	sand.u32 $0xFFFFFFFE, s1  }
0xa7: {  	p0 =	sne.s32 s1, s5  }
0xa8: {  	s5 =	sshll.u32 @p0 s5, $0xE  }
0xa9: {  	s5 =	sadd.s32 @p0 $0x11B8D, s5;
	s6 =	sshll.u32 @p0 s4, $0x11  }
0xaa: {  	s5 =	sor.u32 @p0 s6, s5  }
0xab: {  	[sflag:s5] =	ssyncadd.remote.s32 @p0 $0x1;
	_ =	sdelay $0x1  }
0xac: {  	s5 =	simm.s32 @p0 $0x1B8D  }
0xad: {  	_ =	swait.eq @p0 [sflag:s5], $0x1  }
0xae: {  	[sflag:s5] =	ssyncadd.s32 @p0 $0xFFFFFFFF  }
0xaf: {  	s6 =	sshll.u32 @!p0 s1, $0xE  }
0xb0: {  	s6 =	sor.u32 @!p0 $0x4000, s6;
	s5 =	simm.s32 @!p0 $0x1B8D  }
0xb1: {  	s4 =	sshll.u32 @!p0 s4, $0x11;
	s6 =	sadd.s32 @!p0 $0x11B8D, s6;
	_ =	swait.eq @!p0 [sflag:s5], $0x1  }
0xb2: {  	s4 =	sor.u32 @!p0 s4, s6;
	[sflag:s5] =	ssyncadd.s32 @!p0 $0xFFFFFFFF  }
0xb3: {  	s25 =	simm.s32 $0x1B8E;
	s24 =	sld [smem:$0x3FFE];
	[sflag:s4] =	ssyncadd.remote.s32 @!p0 $0x1  }
0xb4: {  	s26 =	simm.s32 $execute0_lowered;
	[smem:$0x3FD2] =	sst s25  }
0xb5: {  	s5 =	sshll.u32 s26, $0x1;
	_ =	strace $0x80000049;
	[dreg:$0x1] =	wrdreg $0xFFFFFFFF  }
0xb6: {  	s28 =	simm.s32 $_size_execute0_lowered;
	s3 =	sadd.s32 s3, s5;
	[dreg:$0x0] =	wrdreg $0x0  }
0xb7: {  	s5 =	sshll.u32 s28, $0x1;
	[dreg:$0x2] =	wrdreg s3  }
0xb8: {  	[dreg:$0x3] =	wrdreg s5  }
0xb9: {  	[dreg:$0x4] =	wrdreg $0xC0  }
0xba: {  	_ =	task [dreg:s22], $0x5FFFF  }
0xbb: {  	[dreg:$0x1] =	wrdreg $0xFFFFFFFF  }
0xbc: {  	[dreg:$0x0] =	wrdreg $0x60  }
0xbd: {  	[dreg:$0x2] =	wrdreg s24  }
0xbe: {  	[dreg:$0x3] =	wrdreg $0xA  }
0xbf: {  	_ =	task.clear_ibuf [dreg:s22], $0x4FFFF;
	_ =	strace $0x90000049  }
0xc0: {  	s29 =	simm.s32 $0xA;
	_ =	strace $0x8000004B  }
0xc1: {  	_ =	swait.ge [sflag:s29], $0x1  }
0xc2: {  	[sflag:s29] =	ssyncadd.s32 $0xFFFFFFFF  }
0xc3: {  	_ =	strace $0x9000004B  }
0xc4: {  	_ =	sfence  }
0xc5: {  	s30 =	sld [smem:$0x0];
	_ =	sdelay $0x2  }
0xc6: {  	s31 =	sshll.u32 s1, $0xD;
	s1 =	sshrl.u32 s1, $0x2  }
0xc7: {  	s4 =	sand.u32 $0x4000, s31;
	s1 =	sadd.s32 s1, s30  }
0xc8: {  	s0 =	sor.u32 s4, s0;
	s1 =	sshll.u32 s1, $0x11  }
0xc9: {  	s0 =	sor.u32 s1, s0  }
0xca: {  	s0 =	sadd.s32 $0x8F2B, s0  }
0xcb: {  	[sflag:s0] =	ssyncadd.remote.s32 $0x1  }
0xcc: {  	_ =	sfence.sel $0xFFFF  }
0xcd: {  	[dreg:$0x0] =	wrdreg $0xFFFFFFFF;
	(pc) =	sbr.abs _section_cstart, $3  }
0xce: {  	[dreg:$0x1] =	wrdreg $0xFFFFFFFF  }
0xcf: {  	_ =	task.clear_ibuf [dreg:s22], $0x2FFFF;
	_ =	strace $0x9FFFFFFF  }
0xd0: {  	(tm) =	ssettm $0x7FFFFFFF  }
0xd1: {  	_ =	shalt  }
tec
execute0_lowered:
.L_overlay_start_1:
0x0: {  	(tag) =	ssettag $0x1  }
0x1: {  	s4 =	rddreg [dreg:$0x0]  }
0x2: {  	s0 =	rddreg [dreg:$0x1]  }
0x3: {  	s3 =	srdreg.scid;
	s1 =	stileid.u32;
	s2 =	simm.s32 $0x0  }
0x4: {  	s12 =	simm.s32 $0x5;
	s13 =	simm.s32 $0x800;
	s14 =	simm.s32 $0x190  }
0x5: {  	s15 =	simm.s32 $0x1000;
	s16 =	simm.s32 $0x1;
	s17 =	simm.s32 $0xD800  }
0x6: {  	s18 =	simm.s32 $0x2;
	s19 =	simm.s32 $0x990;
	s20 =	simm.s32 $0x3  }
0x7: {  	s21 =	simm.s32 $0x320;
	s22 =	simm.s32 $0xB20;
	s23 =	simm.s32 $0x4  }
0x8: {  	s24 =	simm.s32 $0x4B0;
	s5 =	sand.u32 $0x1, s3;
	s30 =	sshll.u32 s1, $0x1  }
0x9: {  	s25 =	simm.s32 $0xCB0;
	s26 =	simm.s32 $0x640;
	s6 =	sor.u32 s5, s30  }
0xa: {  	s28 =	simm.s32 $0xE40;
	s29 =	simm.s32 $0x0;
	s7 =	smul.u32 $0x7D0, s6  }
0xb: {  	[smem:$0x7FF] =	sst s2;
	s5 =	ssub.s32 $0x2, s5;
	s8 =	smul.u32 $0x3E800, s6  }
0xc: {  	s3 =	sadd.s32 $0x15C00, s4;
	s10 =	sshrl.u32 s5, $0x1;
	s6 =	smul.u32 $0x7D00, s6  }
0xd: {  	s9 =	sadd.s32 $0x44BE00, s4;
	_ =	strace $0x8000004A;
	s11 =	ssub.s32 s5, s10  }
0xe: {  	s7 =	sshrl.u32 s7, $0x3;
	s8 =	sshrl.u32 s8, $0x3;
	s6 =	sadd.s32 s9, s6  }
0xf: {  	s11 =	smax.u32 s11, $0x1;
	s7 =	sadd.s32 s4, s7;
	s31 =	sadd.s32 s9, s8  }
0x10: {  	s4 =	sadd.s32 $0x13B00, s7;
	s5 =	sadd.s32 $0x9D00, s7;
	s7 =	sadd.s32 $0x1900, s31  }
0x11: {  	s8 =	sadd.s32 $0x3200, s31;
	s9 =	sadd.s32 $0x4B00, s31;
	s10 =	sadd.s32 $0x6400, s31  }
.LBB2_1:
0x12: {  	[tilespmem:s2], [sflag:$0x5] =	stream.linear.gather [hbm4b:s4+s2], $0x7D0, $0x38;
	[tilespmem:$0x1A000] =	vst v63  }
0x13: {  	_ =	swait.ge [sflag:s12], $0x7D0  }
0x14: {  	[sflag:s12] =	ssyncset.done $0x0  }
0x15: {  	[sflag:s12] =	ssyncadd.s32 $0xFFFFF830  }
0x16: {  	[tilespmem:s13], [sflag:$0x5] =	stream.linear.gather [hbm4b:s5+s2], $0x7D0, $0x38;
	[tilespmem:$0x1A000] =	vst v63  }
0x17: {  	_ =	swait.ge [sflag:s12], $0x7D0  }
0x18: {  	[sflag:s12] =	ssyncset.done $0x0  }
0x19: {  	s30 =	simm.s32 $0x0;
	s31 =	simm.s32 $0x40;
	[sflag:s12] =	ssyncadd.s32 $0xFFFFF830  }
.LBB2_2:
0x1a: {  	p0 =	sne.s32 s31, $0x1F00;
	v0 =	vld [tilespmem:s30+$0x800];
	_ =	sdelay $0x1  }
.Ltmp0:
0x1b: {  	(pc) =	sbr.rel @p0 .LBB2_2-.Ltmp0, $3  }
0x1c: {  	_ =	sdelay $0x1  }
0x1d: {  	v0 =	vadd.s32 $0x2710, v0  }
0x1e: {  	[tilespmem:s30+$0x800] =	vst v0;
	s30 =	sshra.s32 s31, $0x2;
	s31 =	sadd.s32 $0x40, s31  }
0x1f: {  	v0 =	vld [tilespmem:s30+$0x800];
	_ =	sdelay $0x4  }
0x20: {  	v0 =	vadd.s32 $0x2710, v0  }
0x21: {  	[tilespmem:s30+$0x800] =	vst v0  }
0x22: {  	[tilespmem:s15], [sflag:$0x1] =	stream.indirect.gather [hbm4b:s3+s14], $0x80, s2, s14, $0xb8;
	[tilespmem:$0x1A000] =	vst v63  }
0x23: {  	_ =	swait.ge [sflag:s16], $0xC800  }
0x24: {  	[sflag:s16] =	ssyncset.done $0x0  }
0x25: {  	[sflag:s16] =	ssyncadd.s32 $0xFFFF3800  }
0x26: {  	[tilespmem:s15], [sflag:$0x1] =	stream.indirect.gather.add.f32 [hbm:s3], $0x80, s13, s14, $0xb8;
	[tilespmem:$0x1A000] =	vst v63  }
0x27: {  	_ = 	snop  }
0x28: {  	[tilespmem:s17], [sflag:$0x2] =	stream.indirect.gather [hbm4b:s3+s14], $0x80, s14, s14, $0xb8;
	[tilespmem:$0x1A000] =	vst v63  }
0x29: {  	_ =	swait.ge [sflag:s16], $0xC800  }
0x2a: {  	[sflag:s16] =	ssyncset.done $0x0  }
0x2b: {  	[sflag:s16] =	ssyncadd.s32 $0xFFFF3800  }
0x2c: {  	[hbm4b:s6+s2] =	stream.linear.scatter [tilespmem:s15], [sflag:$0x3], $0xC800, $0x38;
	[tilespmem:$0x1A000] =	vst v63  }
0x2d: {  	_ =	swait.ge [sflag:s18], $0xC800  }
0x2e: {  	[sflag:s18] =	ssyncset.done $0x0  }
0x2f: {  	[sflag:s18] =	ssyncadd.s32 $0xFFFF3800  }
0x30: {  	[tilespmem:s17], [sflag:$0x2] =	stream.indirect.gather.add.f32 [hbm:s3], $0x80, s19, s14, $0xb8;
	[tilespmem:$0x1A000] =	vst v63  }
0x31: {  	_ =	swait.ge [sflag:s20], $0xC800  }
0x32: {  	[sflag:s20] =	ssyncset.done $0x0  }
0x33: {  	[sflag:s20] =	ssyncadd.s32 $0xFFFF3800  }
0x34: {  	[tilespmem:s15], [sflag:$0x1] =	stream.indirect.gather [hbm4b:s3+s14], $0x80, s21, s14, $0xb8;
	[tilespmem:$0x1A000] =	vst v63  }
0x35: {  	_ =	swait.ge [sflag:s18], $0xC800  }
0x36: {  	[sflag:s18] =	ssyncset.done $0x0  }
0x37: {  	[sflag:s18] =	ssyncadd.s32 $0xFFFF3800  }
0x38: {  	[hbm4b:s7+s2] =	stream.linear.scatter [tilespmem:s17], [sflag:$0x4], $0xC800, $0x38;
	[tilespmem:$0x1A000] =	vst v63  }
0x39: {  	_ =	swait.ge [sflag:s16], $0xC800  }
0x3a: {  	[sflag:s16] =	ssyncset.done $0x0  }
0x3b: {  	[sflag:s16] =	ssyncadd.s32 $0xFFFF3800  }
0x3c: {  	[tilespmem:s15], [sflag:$0x1] =	stream.indirect.gather.add.f32 [hbm:s3], $0x80, s22, s14, $0xb8;
	[tilespmem:$0x1A000] =	vst v63  }
0x3d: {  	_ =	swait.ge [sflag:s23], $0xC800  }
0x3e: {  	[sflag:s23] =	ssyncset.done $0x0  }
0x3f: {  	[sflag:s23] =	ssyncadd.s32 $0xFFFF3800  }
0x40: {  	[tilespmem:s17], [sflag:$0x2] =	stream.indirect.gather [hbm4b:s3+s14], $0x80, s24, s14, $0xb8;
	[tilespmem:$0x1A000] =	vst v63  }
0x41: {  	_ =	swait.ge [sflag:s16], $0xC800  }
0x42: {  	[sflag:s16] =	ssyncset.done $0x0  }
0x43: {  	[sflag:s16] =	ssyncadd.s32 $0xFFFF3800  }
0x44: {  	[hbm4b:s8+s2] =	stream.linear.scatter [tilespmem:s15], [sflag:$0x3], $0xC800, $0x38;
	[tilespmem:$0x1A000] =	vst v63  }
0x45: {  	_ =	swait.ge [sflag:s18], $0xC800  }
0x46: {  	[sflag:s18] =	ssyncset.done $0x0  }
0x47: {  	[sflag:s18] =	ssyncadd.s32 $0xFFFF3800  }
0x48: {  	[tilespmem:s17], [sflag:$0x2] =	stream.indirect.gather.add.f32 [hbm:s3], $0x80, s25, s14, $0xb8;
	[tilespmem:$0x1A000] =	vst v63  }
0x49: {  	_ =	swait.ge [sflag:s20], $0xC800  }
0x4a: {  	[sflag:s20] =	ssyncset.done $0x0  }
0x4b: {  	[sflag:s20] =	ssyncadd.s32 $0xFFFF3800  }
0x4c: {  	[tilespmem:s15], [sflag:$0x1] =	stream.indirect.gather [hbm4b:s3+s14], $0x80, s26, s14, $0xb8;
	[tilespmem:$0x1A000] =	vst v63  }
0x4d: {  	_ =	swait.ge [sflag:s18], $0xC800  }
0x4e: {  	[sflag:s18] =	ssyncset.done $0x0  }
0x4f: {  	[sflag:s18] =	ssyncadd.s32 $0xFFFF3800  }
0x50: {  	[hbm4b:s9+s2] =	stream.linear.scatter [tilespmem:s17], [sflag:$0x4], $0xC800, $0x38;
	[tilespmem:$0x1A000] =	vst v63  }
0x51: {  	_ =	swait.ge [sflag:s16], $0xC800  }
0x52: {  	[sflag:s16] =	ssyncset.done $0x0  }
0x53: {  	[sflag:s16] =	ssyncadd.s32 $0xFFFF3800  }
0x54: {  	[tilespmem:s15], [sflag:$0x1] =	stream.indirect.gather.add.f32 [hbm:s3], $0x80, s28, s14, $0xb8;
	[tilespmem:$0x1A000] =	vst v63  }
0x55: {  	_ =	swait.ge [sflag:s23], $0xC800  }
0x56: {  	[sflag:s23] =	ssyncset.done $0x0  }
0x57: {  	[sflag:s23] =	ssyncadd.s32 $0xFFFF3800  }
0x58: {  	s29 =	sadd.s32 $0x1, s29;
	_ =	swait.ge [sflag:s16], $0xC800  }
0x59: {  	p0 =	sne.s32 s29, s11;
	[sflag:s16] =	ssyncset.done $0x0  }
.Ltmp1:
0x5a: {  	[sflag:s16] =	ssyncadd.s32 $0xFFFF3800;
	(pc) =	sbr.rel @p0 .LBB2_1-.Ltmp1, $4  }
0x5b: {  	[hbm4b:s10+s2] =	stream.linear.scatter [tilespmem:s15], [sflag:$0x3], $0xC800, $0x38;
	[tilespmem:$0x1A000] =	vst v63  }
0x5c: {  	_ =	swait.ge [sflag:s20], $0xC800  }
0x5d: {  	[sflag:s20] =	ssyncset.done $0x0  }
0x5e: {  	[sflag:s20] =	ssyncadd.s32 $0xFFFF3800  }
0x5f: {  	_ =	sfence.sel $0x180000  }
0x60: {  	[bflag:$0x0] =	sbarrier.arrive $0xFFFF  }
0x61: {  	p0 =	sne.s32 s1, $0x0;
	_ =	strace $0x9000004A  }
0x62: {  	s0 =	sadd.s32 @!p0 $0x100000, s0;
	[bflag:$0x2] =	sbarrier.arrive $0xFFFF  }
0x63: {  	[sflag:s0] =	ssyncadd.tile.s32 @!p0 $0x1;
	_ =	shalt  }
.Lfunc_end2:
_tile_overlayer_lowered:
.L_overlay_start_2:
0x64: {  	(tag) =	ssettag $0x2  }
0x65: {  	s0 =	rddreg [dreg:$0x0];
	s2 =	stileid.u32  }
0x66: {  	s1 =	rddreg [dreg:$0x1];
	p0 =	sne.s32 s2, $0x0  }
0x67: {  	s3 =	rddreg [dreg:$0x2];
	[bflag:$0x3] =	sbarrier.arrive $0xFFFF;
	s2 =	simm.s32 @!p0 $0x1C05  }
0x68: {  	[timem:s3], [sflag:s2] =	dma.local @!p0 [hbm:s0], s1  }
0x69: {  	s0 =	simm.s32 @!p0 $0x5  }
0x6a: {  	_ =	swait.ge @!p0 [sflag:s0], s1  }
0x6b: {  	s1 =	ssub.s32 @!p0 $0x0, s1;
	[sflag:s0] =	ssyncset.done @!p0 $0x0  }
0x6c: {  	[sflag:s0] =	ssyncadd.s32 @!p0 s1  }
0x6d: {  	[bflag:$0x3] =	sbarrier.arrive $0xFFFF  }
0x6e: {  	_ =	shalt  }

// kernel: kernel.7.cloned.1.call-start
scs
__scs_entry_jumppad:
0x0: {  	(pc) =	sbr.rel $0x88, $3  }
0x1: {  	(tag) =	ssettag $0x0;
	lr =	simm.s32 $0x1  }
0x2: {  	[smem:$0x3F9A] =	sst lr;
	_ =	strace $0xD0000000  }
0x3: {  	_ = 	snop  }
0x4: {  	_ = 	snop  }
0x5: {  	_ = 	snop  }
0x6: {  	_ = 	snop  }
0x7: {  	_ = 	snop  }
__scs_overlays_trampoline_lowered:
0x8: {  	[smem:$0x3FA9] =	sst s0  }
0x9: {  	[smem:$0x3FAA] =	sst s1  }
0xa: {  	[smem:$0x3FAB] =	sst s2  }
0xb: {  	[smem:$0x3FAC] =	sst s3  }
0xc: {  	[smem:$0x3FAD] =	sst s4  }
0xd: {  	[smem:$0x3FAE] =	sst s5  }
0xe: {  	[smem:$0x3FAF] =	sst s6  }
0xf: {  	[smem:$0x3FB0] =	sst s7  }
0x10: {  	[smem:$0x3FB1] =	sst s8  }
0x11: {  	[smem:$0x3FB2] =	sst s9;
	s0 =	simm.s32 @!p0 $0x0  }
0x12: {  	s1 =	sld [smem:$0x3F98];
	s0 =	simm.s32 @p0 $0x1  }
0x13: {  	[smem:$0x3FB3] =	sst s0;
	s0 =	simm.s32 @!p1 $0x0  }
0x14: {  	s2 =	sld [smem:$0x3F97];
	s0 =	simm.s32 @p1 $0x1  }
0x15: {  	[smem:$0x3FB4] =	sst s0;
	s0 =	simm.s32 @!p2 $0x0  }
0x16: {  	s3 =	sld [smem:$0x3FDB];
	s0 =	simm.s32 @p2 $0x1  }
0x17: {  	s4 =	simm.s32 $0x1BF5;
	[smem:$0x3FB6] =	sst s0  }
0x18: {  	s0 =	sld [smem:$0x3F99];
	_ =	swait.ge [sflag:s4], $0x0  }
0x19: {  	s7 =	sld [smem:$0x3F9A]  }
0x1a: {  	s8 =	sadd.s32 $0xFFFFE003, lr  }
0x1b: {  	s9 =	sadd.s32 $0xFFFFFEF7, lr;
	s5 =	simm.s32 $0xFFFFFFFF;
	p2 =	slt.u32 s8, $0xFFFFF086  }
0x1c: {  	p1 =	slt.u32 s9, $0xF7A;
	s5 =	simm.s32 @!p2 $0x0  }
0x1d: {  	s5 =	simm.s32 @p1 $0x1;
	p0 =	seq.s32 s7, s2  }
0x1e: {  	s7 =	smul.u32 @!p0 $0xF7A, s2;
	p2 =	seq.s32 @!p0 s5, $0x0  }
0x1f: {  	s9 =	smul.u32 $0xF7A, s1;
	s8 =	simm.s32 @!p0 $0x1BF5;
	p2 =	por !p2, p0  }
0x20: {  	[sflag:s8] =	ssyncset.s32 @!p0 $0xFFFFF086;
	s6 =	sadd.s32 @!p0 s3, s7;
	s7 =	simm.s32 @!p0 $0x108  }
0x21: {  	s3 =	sadd.s32 s3, s9;
	s6 =	sadd.s32 @!p0 $0x88, s6;
	s7 =	simm.s32 @p2 $0x1082  }
0x22: {  	[simem:s7], [sflag:s8] =	dma.local @!p0 [hbm:s6], $0xF7A  }
0x23: {  	s9 =	sor.u32 $0xD0000000, s2;
	s6 =	simm.s32 $0x108;
	_ =	swait.ge @!p0 [sflag:s8], $0x0  }
0x24: {  	s3 =	sadd.s32 $0x88, s3;
	s6 =	simm.s32 @!p1 $0x1082;
	[sflag:s4] =	ssyncset.s32 $0xFFFFF086  }
0x25: {  	[simem:s6], [sflag:s4] =	dma.local [hbm:s3], $0xF7A  }
0x26: {  	[smem:$0x3F9A] =	sst s1;
	(tag) =	ssettag s2;
	_ =	strace s9  }
0x27: {  	s1 =	sld [smem:$0x3FAA]  }
0x28: {  	s2 =	sld [smem:$0x3FAB]  }
0x29: {  	s4 =	sld [smem:$0x3FAD]  }
0x2a: {  	p0 =	seq.s32 s5, $0x0;
	s5 =	sld [smem:$0x3FAE]  }
0x2b: {  	s6 =	sld [smem:$0x3FAF]  }
0x2c: {  	s7 =	sld [smem:$0x3FB0]  }
0x2d: {  	s3 =	simm.s32 $0x108;
	s8 =	sld [smem:$0x3FB1]  }
0x2e: {  	s3 =	simm.s32 @!p0 $0x1082;
	s9 =	sld [smem:$0x3FB2]  }
0x2f: {  	lr =	sadd.s32 s0, s3;
	s0 =	sld [smem:$0x3FA9]  }
0x30: {  	s3 =	sld [smem:$0x3FAC]  }
0x31: {  	[smem:$0x3FB5] =	sst s10  }
0x32: {  	s10 =	sld [smem:$0x3FB3];
	_ =	sdelay $0x3  }
0x33: {  	p0 =	seq.s32 s10, $0x1;
	s10 =	sld [smem:$0x3FB5];
	_ =	sdelay $0x3  }
0x34: {  	[smem:$0x3FB5] =	sst s10  }
0x35: {  	s10 =	sld [smem:$0x3FB4];
	_ =	sdelay $0x3  }
0x36: {  	p1 =	seq.s32 s10, $0x1;
	s10 =	sld [smem:$0x3FB5];
	_ =	sdelay $0x3  }
0x37: {  	[smem:$0x3FB5] =	sst s10  }
0x38: {  	s10 =	sld [smem:$0x3FB6]  }
0x39: {  	_ = 	snop;
	(pc) =	sbr.ind lr, $3  }
0x3a: {  	_ = 	snop  }
0x3b: {  	_ = 	snop  }
0x3c: {  	p2 =	seq.s32 s10, $0x1;
	s10 =	sld [smem:$0x3FB5]  }
0x3d: {  	_ =	shalt  }
0x3e: {  	_ =	shalt  }
0x3f: {  	_ =	shalt  }
0x40: {  	_ =	shalt  }
0x41: {  	_ =	shalt  }
0x42: {  	_ =	shalt  }
0x43: {  	_ =	shalt  }
0x44: {  	_ =	shalt  }
0x45: {  	_ =	shalt  }
0x46: {  	_ =	shalt  }
0x47: {  	_ =	shalt  }
0x48: {  	_ =	shalt  }
0x49: {  	_ =	shalt  }
0x4a: {  	_ =	shalt  }
0x4b: {  	_ =	shalt  }
0x4c: {  	_ =	shalt  }
0x4d: {  	_ =	shalt  }
0x4e: {  	_ =	shalt  }
0x4f: {  	_ =	shalt  }
0x50: {  	_ =	shalt  }
0x51: {  	_ =	shalt  }
0x52: {  	_ =	shalt  }
0x53: {  	_ =	shalt  }
0x54: {  	_ =	shalt  }
0x55: {  	_ =	shalt  }
0x56: {  	_ =	shalt  }
0x57: {  	_ =	shalt  }
0x58: {  	_ =	shalt  }
0x59: {  	_ =	shalt  }
0x5a: {  	_ =	shalt  }
0x5b: {  	_ =	shalt  }
0x5c: {  	_ =	shalt  }
0x5d: {  	_ =	shalt  }
0x5e: {  	_ =	shalt  }
0x5f: {  	_ =	shalt  }
0x60: {  	_ =	shalt  }
0x61: {  	_ =	shalt  }
0x62: {  	_ =	shalt  }
0x63: {  	_ =	shalt  }
0x64: {  	_ =	shalt  }
0x65: {  	_ =	shalt  }
0x66: {  	_ =	shalt  }
0x67: {  	_ =	shalt  }
0x68: {  	_ =	shalt  }
0x69: {  	_ =	shalt  }
0x6a: {  	_ =	shalt  }
0x6b: {  	_ =	shalt  }
0x6c: {  	_ =	shalt  }
0x6d: {  	_ =	shalt  }
0x6e: {  	_ =	shalt  }
0x6f: {  	_ =	shalt  }
0x70: {  	_ =	shalt  }
0x71: {  	_ =	shalt  }
0x72: {  	_ =	shalt  }
0x73: {  	_ =	shalt  }
0x74: {  	_ =	shalt  }
0x75: {  	_ =	shalt  }
0x76: {  	_ =	shalt  }
0x77: {  	_ =	shalt  }
0x78: {  	_ =	shalt  }
0x79: {  	_ =	shalt  }
0x7a: {  	_ =	shalt  }
0x7b: {  	_ =	shalt  }
0x7c: {  	_ =	shalt  }
0x7d: {  	_ =	shalt  }
0x7e: {  	_ =	shalt  }
0x7f: {  	_ =	shalt  }
0x80: {  	_ =	shalt  }
0x81: {  	_ =	shalt  }
0x82: {  	_ =	shalt  }
0x83: {  	_ =	shalt  }
0x84: {  	_ =	shalt  }
0x85: {  	_ =	shalt  }
0x86: {  	_ =	shalt  }
0x87: {  	_ =	shalt  }
.Lfunc_end0:
.L_simem_size_0:
called_computation_lowered:
.L_overlay_start_0:
0x88: {  	s2 =	sld [smem:$0x3FD9]  }
0x89: {  	s3 =	sld [smem:$0x3FFE];
	_ =	sdelay $0x1  }
0x8a: {  	s1 =	srdreg.scid  }
0x8b: {  	s0 =	sand.u32 $0x1, s1  }
0x8c: {  	s16 =	sshll.u32 s0, $0xA;
	s2 =	sadd.s32 s3, s2  }
0x8d: {  	s2 =	sadd.s32 s2, s16  }
0x8e: {  	[smem:$0x3FC1] =	sst s2  }
0x8f: {  	_ = 	snop  }
0x90: {  	(tm) =	ssettm $0x1  }
0x91: {  	s17 =	sld [smem:$0x3FFB];
	_ =	sdelay $0x3  }
0x92: {  	_ =	strace s17  }
0x93: {  	s2 =	sld [smem:$0x3FFC];
	_ =	sdelay $0x3  }
0x94: {  	_ =	strace s2  }
0x95: {  	s2 =	sld [smem:$0x3FFD];
	_ =	sdelay $0x3  }
0x96: {  	_ =	strace s2  }
0x97: {  	_ =	strace $0x8FFFFFFF  }
0x98: {  	s18 =	sld [smem:$0x3FDB];
	_ =	sdelay $0x1  }
0x99: {  	s19 =	simm.s32 $_scs_section_size  }
0x9a: {  	s4 =	simm.s32 $_size__tile_overlayer_lowered;
	s5 =	simm.s32 $_tile_overlayer_lowered  }
0x9b: {  	s22 =	simm.s32 $0x1BFF;
	s21 =	sshll.u32 s5, $0x1;
	s2 =	sadd.s32 s19, s18  }
0x9c: {  	s6 =	simm.s32 $0x0;
	s20 =	sshll.u32 s4, $0x1;
	s4 =	sadd.s32 s21, s2  }
0x9d: {  	[timem:s6], [sflag:s22] =	dma.local [hbm:s4], s20  }
0x9e: {  	_ =	swait.ge [sflag:s22], s20  }
0x9f: {  	s3 =	ssub.s32 $0x0, s20;
	[sflag:s22] =	ssyncset.done $0x0  }
0xa0: {  	[sflag:s22] =	ssyncadd.s32 s3;
	_ =	sdelay $0x1  }
0xa1: {  	s23 =	simm.s32 $0x1B8B  }
0xa2: {  	_ =	swait.ge [sflag:s23], $0x1  }
0xa3: {  	[sflag:s23] =	ssyncset.done $0x0  }
0xa4: {  	s25 =	simm.s32 $0x1B8E;
	s24 =	sld [smem:$0x3FFE];
	[sflag:s23] =	ssyncadd.s32 $0xFFFFFFFF  }
0xa5: {  	s26 =	simm.s32 $execute0_lowered;
	[smem:$0x3FD2] =	sst s25  }
0xa6: {  	s4 =	sshll.u32 s26, $0x1;
	_ =	strace $0x80000046;
	[dreg:$0x1] =	wrdreg $0xFFFFFFFF  }
0xa7: {  	s28 =	simm.s32 $_size_execute0_lowered;
	s2 =	sadd.s32 s2, s4;
	[dreg:$0x0] =	wrdreg $0x0  }
0xa8: {  	s4 =	sshll.u32 s28, $0x1;
	[dreg:$0x2] =	wrdreg s2  }
0xa9: {  	[dreg:$0x3] =	wrdreg s4  }
0xaa: {  	[dreg:$0x4] =	wrdreg $0xC0  }
0xab: {  	_ =	task [dreg:s6], $0x5FFFF  }
0xac: {  	[dreg:$0x1] =	wrdreg $0xFFFFFFFF  }
0xad: {  	[dreg:$0x0] =	wrdreg $0x60  }
0xae: {  	[dreg:$0x2] =	wrdreg s24  }
0xaf: {  	[dreg:$0x3] =	wrdreg $0x9  }
0xb0: {  	_ =	task.clear_ibuf [dreg:s6], $0x4FFFF;
	_ =	strace $0x90000046  }
0xb1: {  	s29 =	simm.s32 $0x9;
	_ =	strace $0x80000048  }
0xb2: {  	_ =	swait.ge [sflag:s29], $0x1  }
0xb3: {  	[sflag:s29] =	ssyncadd.s32 $0xFFFFFFFF  }
0xb4: {  	_ =	strace $0x90000048  }
0xb5: {  	_ =	sfence  }
0xb6: {  	s30 =	sld [smem:$0x0];
	_ =	sdelay $0x2  }
0xb7: {  	s31 =	sshll.u32 s1, $0xD;
	s1 =	sshrl.u32 s1, $0x2  }
0xb8: {  	s3 =	sand.u32 $0x4000, s31;
	s1 =	sadd.s32 s1, s30  }
0xb9: {  	s0 =	sor.u32 s3, s0;
	s1 =	sshll.u32 s1, $0x11  }
0xba: {  	s0 =	sor.u32 s1, s0  }
0xbb: {  	s0 =	sadd.s32 $0x8F2B, s0  }
0xbc: {  	[sflag:s0] =	ssyncadd.remote.s32 $0x1  }
0xbd: {  	_ =	sfence.sel $0xFFFF  }
0xbe: {  	[dreg:$0x0] =	wrdreg $0xFFFFFFFF;
	(pc) =	sbr.abs _section_cstart, $3  }
0xbf: {  	[dreg:$0x1] =	wrdreg $0xFFFFFFFF  }
0xc0: {  	_ =	task.clear_ibuf [dreg:s6], $0x2FFFF;
	_ =	strace $0x9FFFFFFF  }
0xc1: {  	(tm) =	ssettm $0x7FFFFFFF  }
tec
execute0_lowered:
.L_overlay_start_1:
0x0: {  	(tag) =	ssettag $0x1  }
0x1: {  	s0 =	srdreg.scid;
	s2 =	stileid.u32  }
0x2: {  	s1 =	rddreg [dreg:$0x0];
	s28 =	simm.s32 $0x5;
	s29 =	simm.s32 $0x1F80  }
0x3: {  	s30 =	simm.s32 $0x190;
	s0 =	sand.u32 $0x1, s0;
	s3 =	sshll.u32 s2, $0x1  }
0x4: {  	s31 =	simm.s32 $0x3F00;
	s2 =	simm.s32 $0x0;
	s4 =	sor.u32 s0, s3  }
0x5: {  	[smem:$0x7FF] =	sst s2;
	s3 =	sadd.s32 $0x15C00, s1;
	s5 =	smul.u32 $0x3E8, s4  }
0x6: {  	s0 =	ssub.s32 $0x2, s0;
	_ =	strace $0x80000047;
	s6 =	smul.u32 $0xFA000, s4  }
0x7: {  	s7 =	sshrl.u32 s0, $0x1;
	s4 =	smul.u32 $0x1F400, s4;
	s5 =	sadd.s32 s5, s1  }
0x8: {  	s0 =	ssub.s32 s0, s7;
	s1 =	sadd.s32 $0x63E00, s1;
	s23 =	sadd.s32 $0xBE00, s5  }
0x9: {  	s6 =	sshrl.u32 s6, $0x3;
	s5 =	sadd.s32 $0x2000, s5;
	[dreg:$0x2] =	wrdreg s23  }
0xa: {  	s6 =	sadd.s32 s1, s6;
	s1 =	sadd.s32 s1, s4;
	[dreg:$0x3] =	wrdreg s5  }
0xb: {  	s7 =	simm.s32 $0x0;
	s4 =	simm.s32 $0x2;
	[dreg:$0x4] =	wrdreg s1  }
0xc: {  	s24 =	sadd.s32 $0x1900, s6;
	s25 =	sadd.s32 $0x3200, s6;
	s26 =	sadd.s32 $0x4B00, s6  }
0xd: {  	s10 =	sadd.s32 $0x6400, s6;
	s11 =	sadd.s32 $0x7D00, s6;
	s12 =	sadd.s32 $0x9600, s6  }
0xe: {  	s13 =	sadd.s32 $0xAF00, s6;
	s14 =	sadd.s32 $0xC800, s6;
	s15 =	sadd.s32 $0xE100, s6  }
0xf: {  	s16 =	sadd.s32 $0xFA00, s6;
	s17 =	sadd.s32 $0x11300, s6;
	s18 =	sadd.s32 $0x12C00, s6  }
0x10: {  	s19 =	sadd.s32 $0x14500, s6;
	s20 =	sadd.s32 $0x15E00, s6;
	s21 =	sadd.s32 $0x17700, s6  }
0x11: {  	s22 =	sadd.s32 $0x19000, s6;
	s23 =	sadd.s32 $0x1A900, s6;
	[dreg:$0x5] =	wrdreg s24  }
0x12: {  	s1 =	simm.s32 $0x1;
	s5 =	simm.s32 $0x3;
	[dreg:$0x6] =	wrdreg s25  }
0x13: {  	[dreg:$0x7] =	wrdreg s26;
	s24 =	sadd.s32 $0x1C200, s6;
	s25 =	sadd.s32 $0x1DB00, s6  }
0x14: {  	s26 =	smax.u32 s0, $0x1;
	s0 =	simm.s32 $0x10700;
	s6 =	simm.s32 $0x4  }
.LBB2_1:
0x15: {  	s8 =	rddreg [dreg:$0x2]  }
0x16: {  	[tilespmem:s2], [sflag:$0x5] =	stream.linear.gather [hbm4b:s8+s2], $0x1F40, $0x38;
	[tilespmem:$0x1CF00] =	vst v63  }
0x17: {  	_ =	swait.ge [sflag:s28], $0x1F40  }
0x18: {  	[sflag:s28] =	ssyncset.done $0x0  }
0x19: {  	s9 =	rddreg [dreg:$0x3];
	[sflag:s28] =	ssyncadd.s32 $0xFFFFE0C0  }
0x1a: {  	[tilespmem:s29], [sflag:$0x5] =	stream.linear.gather [hbm4b:s9+s2], $0x1F40, $0x38;
	[tilespmem:$0x1CF00] =	vst v63  }
0x1b: {  	_ =	swait.ge [sflag:s28], $0x1F40  }
0x1c: {  	[sflag:s28] =	ssyncset.done $0x0  }
0x1d: {  	s8 =	simm.s32 $0x0;
	s9 =	simm.s32 $0x40;
	[sflag:s28] =	ssyncadd.s32 $0xFFFFE0C0  }
.LBB2_2:
0x1e: {  	p0 =	sne.s32 s9, $0x7CC0;
	v0 =	vld [tilespmem:s8+$0x1F80];
	_ =	sdelay $0x1  }
.Ltmp0:
0x1f: {  	(pc) =	sbr.rel @p0 .LBB2_2-.Ltmp0, $3  }
0x20: {  	_ =	sdelay $0x1  }
0x21: {  	v0 =	vadd.s32 $0x2710, v0  }
0x22: {  	[tilespmem:s8+$0x1F80] =	vst v0;
	s8 =	sshra.s32 s9, $0x2;
	s9 =	sadd.s32 $0x40, s9  }
0x23: {  	v0 =	vld [tilespmem:s8+$0x1F80];
	_ =	sdelay $0x4  }
0x24: {  	v0 =	vadd.s32 $0x2710, v0  }
0x25: {  	[tilespmem:s8+$0x1F80] =	vst v0  }
0x26: {  	[tilespmem:s31], [sflag:$0x1] =	stream.indirect.gather [hbm4b:s3+s30], $0x80, s2, s30, $0xb8;
	[tilespmem:$0x1CF00] =	vst v63  }
0x27: {  	_ =	swait.ge [sflag:s1], $0xC800  }
0x28: {  	[sflag:s1] =	ssyncset.done $0x0  }
0x29: {  	[sflag:s1] =	ssyncadd.s32 $0xFFFF3800  }
0x2a: {  	[tilespmem:s31], [sflag:$0x1] =	stream.indirect.gather.add.f32 [hbm:s3], $0x80, s29, s30, $0xb8;
	[tilespmem:$0x1CF00] =	vst v63  }
0x2b: {  	_ = 	snop  }
0x2c: {  	[tilespmem:s0], [sflag:$0x2] =	stream.indirect.gather [hbm4b:s3+s30], $0x80, s30, s30, $0xb8;
	[tilespmem:$0x1CF00] =	vst v63  }
0x2d: {  	_ =	swait.ge [sflag:s1], $0xC800  }
0x2e: {  	[sflag:s1] =	ssyncset.done $0x0  }
0x2f: {  	s9 =	rddreg [dreg:$0x4];
	[sflag:s1] =	ssyncadd.s32 $0xFFFF3800  }
0x30: {  	[hbm4b:s9+s2] =	stream.linear.scatter [tilespmem:s31], [sflag:$0x3], $0xC800, $0x38;
	[tilespmem:$0x1CF00] =	vst v63  }
0x31: {  	_ =	swait.ge [sflag:s4], $0xC800  }
0x32: {  	[sflag:s4] =	ssyncset.done $0x0  }
0x33: {  	s9 =	simm.s32 $0x2110;
	[sflag:s4] =	ssyncadd.s32 $0xFFFF3800  }
0x34: {  	[tilespmem:s0], [sflag:$0x2] =	stream.indirect.gather.add.f32 [hbm:s3], $0x80, s9, s30, $0xb8;
	[tilespmem:$0x1CF00] =	vst v63  }
0x35: {  	_ =	swait.ge [sflag:s5], $0xC800  }
0x36: {  	[sflag:s5] =	ssyncset.done $0x0  }
0x37: {  	s9 =	simm.s32 $0x320;
	[sflag:s5] =	ssyncadd.s32 $0xFFFF3800  }
0x38: {  	[tilespmem:s31], [sflag:$0x1] =	stream.indirect.gather [hbm4b:s3+s30], $0x80, s9, s30, $0xb8;
	[tilespmem:$0x1CF00] =	vst v63  }
0x39: {  	_ =	swait.ge [sflag:s4], $0xC800  }
0x3a: {  	[sflag:s4] =	ssyncset.done $0x0  }
0x3b: {  	s9 =	rddreg [dreg:$0x5];
	[sflag:s4] =	ssyncadd.s32 $0xFFFF3800  }
0x3c: {  	[hbm4b:s9+s2] =	stream.linear.scatter [tilespmem:s0], [sflag:$0x4], $0xC800, $0x38;
	[tilespmem:$0x1CF00] =	vst v63  }
0x3d: {  	_ =	swait.ge [sflag:s1], $0xC800  }
0x3e: {  	[sflag:s1] =	ssyncset.done $0x0  }
0x3f: {  	s9 =	simm.s32 $0x22A0;
	[sflag:s1] =	ssyncadd.s32 $0xFFFF3800  }
0x40: {  	[tilespmem:s31], [sflag:$0x1] =	stream.indirect.gather.add.f32 [hbm:s3], $0x80, s9, s30, $0xb8;
	[tilespmem:$0x1CF00] =	vst v63  }
0x41: {  	_ =	swait.ge [sflag:s6], $0xC800  }
0x42: {  	[sflag:s6] =	ssyncset.done $0x0  }
0x43: {  	s9 =	simm.s32 $0x4B0;
	[sflag:s6] =	ssyncadd.s32 $0xFFFF3800  }
0x44: {  	[tilespmem:s0], [sflag:$0x2] =	stream.indirect.gather [hbm4b:s3+s30], $0x80, s9, s30, $0xb8;
	[tilespmem:$0x1CF00] =	vst v63  }
0x45: {  	_ =	swait.ge [sflag:s1], $0xC800  }
0x46: {  	[sflag:s1] =	ssyncset.done $0x0  }
0x47: {  	s9 =	rddreg [dreg:$0x6];
	[sflag:s1] =	ssyncadd.s32 $0xFFFF3800  }
0x48: {  	[hbm4b:s9+s2] =	stream.linear.scatter [tilespmem:s31], [sflag:$0x3], $0xC800, $0x38;
	[tilespmem:$0x1CF00] =	vst v63  }
0x49: {  	_ =	swait.ge [sflag:s4], $0xC800  }
0x4a: {  	[sflag:s4] =	ssyncset.done $0x0  }
0x4b: {  	s9 =	simm.s32 $0x2430;
	[sflag:s4] =	ssyncadd.s32 $0xFFFF3800  }
0x4c: {  	[tilespmem:s0], [sflag:$0x2] =	stream.indirect.gather.add.f32 [hbm:s3], $0x80, s9, s30, $0xb8;
	[tilespmem:$0x1CF00] =	vst v63  }
0x4d: {  	_ =	swait.ge [sflag:s5], $0xC800  }
0x4e: {  	[sflag:s5] =	ssyncset.done $0x0  }
0x4f: {  	s9 =	simm.s32 $0x640;
	[sflag:s5] =	ssyncadd.s32 $0xFFFF3800  }
0x50: {  	[tilespmem:s31], [sflag:$0x1] =	stream.indirect.gather [hbm4b:s3+s30], $0x80, s9, s30, $0xb8;
	[tilespmem:$0x1CF00] =	vst v63  }
0x51: {  	_ =	swait.ge [sflag:s4], $0xC800  }
0x52: {  	[sflag:s4] =	ssyncset.done $0x0  }
0x53: {  	s9 =	rddreg [dreg:$0x7];
	[sflag:s4] =	ssyncadd.s32 $0xFFFF3800  }
0x54: {  	[hbm4b:s9+s2] =	stream.linear.scatter [tilespmem:s0], [sflag:$0x4], $0xC800, $0x38;
	[tilespmem:$0x1CF00] =	vst v63  }
0x55: {  	_ =	swait.ge [sflag:s1], $0xC800  }
0x56: {  	[sflag:s1] =	ssyncset.done $0x0  }
0x57: {  	s9 =	simm.s32 $0x25C0;
	[sflag:s1] =	ssyncadd.s32 $0xFFFF3800  }
0x58: {  	[tilespmem:s31], [sflag:$0x1] =	stream.indirect.gather.add.f32 [hbm:s3], $0x80, s9, s30, $0xb8;
	[tilespmem:$0x1CF00] =	vst v63  }
0x59: {  	_ =	swait.ge [sflag:s6], $0xC800  }
0x5a: {  	[sflag:s6] =	ssyncset.done $0x0  }
0x5b: {  	s9 =	simm.s32 $0x7D0;
	[sflag:s6] =	ssyncadd.s32 $0xFFFF3800  }
0x5c: {  	[tilespmem:s0], [sflag:$0x2] =	stream.indirect.gather [hbm4b:s3+s30], $0x80, s9, s30, $0xb8;
	[tilespmem:$0x1CF00] =	vst v63  }
0x5d: {  	_ =	swait.ge [sflag:s1], $0xC800  }
0x5e: {  	[sflag:s1] =	ssyncset.done $0x0  }
0x5f: {  	[sflag:s1] =	ssyncadd.s32 $0xFFFF3800  }
0x60: {  	[hbm4b:s10+s2] =	stream.linear.scatter [tilespmem:s31], [sflag:$0x3], $0xC800, $0x38;
	[tilespmem:$0x1CF00] =	vst v63  }
0x61: {  	_ =	swait.ge [sflag:s4], $0xC800  }
0x62: {  	[sflag:s4] =	ssyncset.done $0x0  }
0x63: {  	s9 =	simm.s32 $0x2750;
	[sflag:s4] =	ssyncadd.s32 $0xFFFF3800  }
0x64: {  	[tilespmem:s0], [sflag:$0x2] =	stream.indirect.gather.add.f32 [hbm:s3], $0x80, s9, s30, $0xb8;
	[tilespmem:$0x1CF00] =	vst v63  }
0x65: {  	_ =	swait.ge [sflag:s5], $0xC800  }
0x66: {  	[sflag:s5] =	ssyncset.done $0x0  }
0x67: {  	s9 =	simm.s32 $0x960;
	[sflag:s5] =	ssyncadd.s32 $0xFFFF3800  }
0x68: {  	[tilespmem:s31], [sflag:$0x1] =	stream.indirect.gather [hbm4b:s3+s30], $0x80, s9, s30, $0xb8;
	[tilespmem:$0x1CF00] =	vst v63  }
0x69: {  	_ =	swait.ge [sflag:s4], $0xC800  }
0x6a: {  	[sflag:s4] =	ssyncset.done $0x0  }
0x6b: {  	[sflag:s4] =	ssyncadd.s32 $0xFFFF3800  }
0x6c: {  	[hbm4b:s11+s2] =	stream.linear.scatter [tilespmem:s0], [sflag:$0x4], $0xC800, $0x38;
	[tilespmem:$0x1CF00] =	vst v63  }
0x6d: {  	_ =	swait.ge [sflag:s1], $0xC800  }
0x6e: {  	[sflag:s1] =	ssyncset.done $0x0  }
0x6f: {  	s9 =	simm.s32 $0x28E0;
	[sflag:s1] =	ssyncadd.s32 $0xFFFF3800  }
0x70: {  	[tilespmem:s31], [sflag:$0x1] =	stream.indirect.gather.add.f32 [hbm:s3], $0x80, s9, s30, $0xb8;
	[tilespmem:$0x1CF00] =	vst v63  }
0x71: {  	_ =	swait.ge [sflag:s6], $0xC800  }
0x72: {  	[sflag:s6] =	ssyncset.done $0x0  }
0x73: {  	s9 =	simm.s32 $0xAF0;
	[sflag:s6] =	ssyncadd.s32 $0xFFFF3800  }
0x74: {  	[tilespmem:s0], [sflag:$0x2] =	stream.indirect.gather [hbm4b:s3+s30], $0x80, s9, s30, $0xb8;
	[tilespmem:$0x1CF00] =	vst v63  }
0x75: {  	_ =	swait.ge [sflag:s1], $0xC800  }
0x76: {  	[sflag:s1] =	ssyncset.done $0x0  }
0x77: {  	[sflag:s1] =	ssyncadd.s32 $0xFFFF3800  }
0x78: {  	[hbm4b:s12+s2] =	stream.linear.scatter [tilespmem:s31], [sflag:$0x3], $0xC800, $0x38;
	[tilespmem:$0x1CF00] =	vst v63  }
0x79: {  	_ =	swait.ge [sflag:s4], $0xC800  }
0x7a: {  	[sflag:s4] =	ssyncset.done $0x0  }
0x7b: {  	s9 =	simm.s32 $0x2A70;
	[sflag:s4] =	ssyncadd.s32 $0xFFFF3800  }
0x7c: {  	[tilespmem:s0], [sflag:$0x2] =	stream.indirect.gather.add.f32 [hbm:s3], $0x80, s9, s30, $0xb8;
	[tilespmem:$0x1CF00] =	vst v63  }
0x7d: {  	_ =	swait.ge [sflag:s5], $0xC800  }
0x7e: {  	[sflag:s5] =	ssyncset.done $0x0  }
0x7f: {  	s9 =	simm.s32 $0xC80;
	[sflag:s5] =	ssyncadd.s32 $0xFFFF3800  }
0x80: {  	[tilespmem:s31], [sflag:$0x1] =	stream.indirect.gather [hbm4b:s3+s30], $0x80, s9, s30, $0xb8;
	[tilespmem:$0x1CF00] =	vst v63  }
0x81: {  	_ =	swait.ge [sflag:s4], $0xC800  }
0x82: {  	[sflag:s4] =	ssyncset.done $0x0  }
0x83: {  	[sflag:s4] =	ssyncadd.s32 $0xFFFF3800  }
0x84: {  	[hbm4b:s13+s2] =	stream.linear.scatter [tilespmem:s0], [sflag:$0x4], $0xC800, $0x38;
	[tilespmem:$0x1CF00] =	vst v63  }
0x85: {  	_ =	swait.ge [sflag:s1], $0xC800  }
0x86: {  	[sflag:s1] =	ssyncset.done $0x0  }
0x87: {  	s9 =	simm.s32 $0x2C00;
	[sflag:s1] =	ssyncadd.s32 $0xFFFF3800  }
0x88: {  	[tilespmem:s31], [sflag:$0x1] =	stream.indirect.gather.add.f32 [hbm:s3], $0x80, s9, s30, $0xb8;
	[tilespmem:$0x1CF00] =	vst v63  }
0x89: {  	_ =	swait.ge [sflag:s6], $0xC800  }
0x8a: {  	[sflag:s6] =	ssyncset.done $0x0  }
0x8b: {  	s9 =	simm.s32 $0xE10;
	[sflag:s6] =	ssyncadd.s32 $0xFFFF3800  }
0x8c: {  	[tilespmem:s0], [sflag:$0x2] =	stream.indirect.gather [hbm4b:s3+s30], $0x80, s9, s30, $0xb8;
	[tilespmem:$0x1CF00] =	vst v63  }
0x8d: {  	_ =	swait.ge [sflag:s1], $0xC800  }
0x8e: {  	[sflag:s1] =	ssyncset.done $0x0  }
0x8f: {  	[sflag:s1] =	ssyncadd.s32 $0xFFFF3800  }
0x90: {  	[hbm4b:s14+s2] =	stream.linear.scatter [tilespmem:s31], [sflag:$0x3], $0xC800, $0x38;
	[tilespmem:$0x1CF00] =	vst v63  }
0x91: {  	_ =	swait.ge [sflag:s4], $0xC800  }
0x92: {  	[sflag:s4] =	ssyncset.done $0x0  }
0x93: {  	s9 =	simm.s32 $0x2D90;
	[sflag:s4] =	ssyncadd.s32 $0xFFFF3800  }
0x94: {  	[tilespmem:s0], [sflag:$0x2] =	stream.indirect.gather.add.f32 [hbm:s3], $0x80, s9, s30, $0xb8;
	[tilespmem:$0x1CF00] =	vst v63  }
0x95: {  	_ =	swait.ge [sflag:s5], $0xC800  }
0x96: {  	[sflag:s5] =	ssyncset.done $0x0  }
0x97: {  	s9 =	simm.s32 $0xFA0;
	[sflag:s5] =	ssyncadd.s32 $0xFFFF3800  }
0x98: {  	[tilespmem:s31], [sflag:$0x1] =	stream.indirect.gather [hbm4b:s3+s30], $0x80, s9, s30, $0xb8;
	[tilespmem:$0x1CF00] =	vst v63  }
0x99: {  	_ =	swait.ge [sflag:s4], $0xC800  }
0x9a: {  	[sflag:s4] =	ssyncset.done $0x0  }
0x9b: {  	[sflag:s4] =	ssyncadd.s32 $0xFFFF3800  }
0x9c: {  	[hbm4b:s15+s2] =	stream.linear.scatter [tilespmem:s0], [sflag:$0x4], $0xC800, $0x38;
	[tilespmem:$0x1CF00] =	vst v63  }
0x9d: {  	_ =	swait.ge [sflag:s1], $0xC800  }
0x9e: {  	[sflag:s1] =	ssyncset.done $0x0  }
0x9f: {  	s9 =	simm.s32 $0x2F20;
	[sflag:s1] =	ssyncadd.s32 $0xFFFF3800  }
0xa0: {  	[tilespmem:s31], [sflag:$0x1] =	stream.indirect.gather.add.f32 [hbm:s3], $0x80, s9, s30, $0xb8;
	[tilespmem:$0x1CF00] =	vst v63  }
0xa1: {  	_ =	swait.ge [sflag:s6], $0xC800  }
0xa2: {  	[sflag:s6] =	ssyncset.done $0x0  }
0xa3: {  	s9 =	simm.s32 $0x1130;
	[sflag:s6] =	ssyncadd.s32 $0xFFFF3800  }
0xa4: {  	[tilespmem:s0], [sflag:$0x2] =	stream.indirect.gather [hbm4b:s3+s30], $0x80, s9, s30, $0xb8;
	[tilespmem:$0x1CF00] =	vst v63  }
0xa5: {  	_ =	swait.ge [sflag:s1], $0xC800  }
0xa6: {  	[sflag:s1] =	ssyncset.done $0x0  }
0xa7: {  	[sflag:s1] =	ssyncadd.s32 $0xFFFF3800  }
0xa8: {  	[hbm4b:s16+s2] =	stream.linear.scatter [tilespmem:s31], [sflag:$0x3], $0xC800, $0x38;
	[tilespmem:$0x1CF00] =	vst v63  }
0xa9: {  	_ =	swait.ge [sflag:s4], $0xC800  }
0xaa: {  	[sflag:s4] =	ssyncset.done $0x0  }
0xab: {  	s9 =	simm.s32 $0x30B0;
	[sflag:s4] =	ssyncadd.s32 $0xFFFF3800  }
0xac: {  	[tilespmem:s0], [sflag:$0x2] =	stream.indirect.gather.add.f32 [hbm:s3], $0x80, s9, s30, $0xb8;
	[tilespmem:$0x1CF00] =	vst v63  }
0xad: {  	_ =	swait.ge [sflag:s5], $0xC800  }
0xae: {  	[sflag:s5] =	ssyncset.done $0x0  }
0xaf: {  	s9 =	simm.s32 $0x12C0;
	[sflag:s5] =	ssyncadd.s32 $0xFFFF3800  }
0xb0: {  	[tilespmem:s31], [sflag:$0x1] =	stream.indirect.gather [hbm4b:s3+s30], $0x80, s9, s30, $0xb8;
	[tilespmem:$0x1CF00] =	vst v63  }
0xb1: {  	_ =	swait.ge [sflag:s4], $0xC800  }
0xb2: {  	[sflag:s4] =	ssyncset.done $0x0  }
0xb3: {  	[sflag:s4] =	ssyncadd.s32 $0xFFFF3800  }
0xb4: {  	[hbm4b:s17+s2] =	stream.linear.scatter [tilespmem:s0], [sflag:$0x4], $0xC800, $0x38;
	[tilespmem:$0x1CF00] =	vst v63  }
0xb5: {  	_ =	swait.ge [sflag:s1], $0xC800  }
0xb6: {  	[sflag:s1] =	ssyncset.done $0x0  }
0xb7: {  	s9 =	simm.s32 $0x3240;
	[sflag:s1] =	ssyncadd.s32 $0xFFFF3800  }
0xb8: {  	[tilespmem:s31], [sflag:$0x1] =	stream.indirect.gather.add.f32 [hbm:s3], $0x80, s9, s30, $0xb8;
	[tilespmem:$0x1CF00] =	vst v63  }
0xb9: {  	_ =	swait.ge [sflag:s6], $0xC800  }
0xba: {  	[sflag:s6] =	ssyncset.done $0x0  }
0xbb: {  	s9 =	simm.s32 $0x1450;
	[sflag:s6] =	ssyncadd.s32 $0xFFFF3800  }
0xbc: {  	[tilespmem:s0], [sflag:$0x2] =	stream.indirect.gather [hbm4b:s3+s30], $0x80, s9, s30, $0xb8;
	[tilespmem:$0x1CF00] =	vst v63  }
0xbd: {  	_ =	swait.ge [sflag:s1], $0xC800  }
0xbe: {  	[sflag:s1] =	ssyncset.done $0x0  }
0xbf: {  	[sflag:s1] =	ssyncadd.s32 $0xFFFF3800  }
0xc0: {  	[hbm4b:s18+s2] =	stream.linear.scatter [tilespmem:s31], [sflag:$0x3], $0xC800, $0x38;
	[tilespmem:$0x1CF00] =	vst v63  }
0xc1: {  	_ =	swait.ge [sflag:s4], $0xC800  }
0xc2: {  	[sflag:s4] =	ssyncset.done $0x0  }
0xc3: {  	s9 =	simm.s32 $0x33D0;
	[sflag:s4] =	ssyncadd.s32 $0xFFFF3800  }
0xc4: {  	[tilespmem:s0], [sflag:$0x2] =	stream.indirect.gather.add.f32 [hbm:s3], $0x80, s9, s30, $0xb8;
	[tilespmem:$0x1CF00] =	vst v63  }
0xc5: {  	_ =	swait.ge [sflag:s5], $0xC800  }
0xc6: {  	[sflag:s5] =	ssyncset.done $0x0  }
0xc7: {  	s9 =	simm.s32 $0x15E0;
	[sflag:s5] =	ssyncadd.s32 $0xFFFF3800  }
0xc8: {  	[tilespmem:s31], [sflag:$0x1] =	stream.indirect.gather [hbm4b:s3+s30], $0x80, s9, s30, $0xb8;
	[tilespmem:$0x1CF00] =	vst v63  }
0xc9: {  	_ =	swait.ge [sflag:s4], $0xC800  }
0xca: {  	[sflag:s4] =	ssyncset.done $0x0  }
0xcb: {  	[sflag:s4] =	ssyncadd.s32 $0xFFFF3800  }
0xcc: {  	[hbm4b:s19+s2] =	stream.linear.scatter [tilespmem:s0], [sflag:$0x4], $0xC800, $0x38;
	[tilespmem:$0x1CF00] =	vst v63  }
0xcd: {  	_ =	swait.ge [sflag:s1], $0xC800  }
0xce: {  	[sflag:s1] =	ssyncset.done $0x0  }
0xcf: {  	s9 =	simm.s32 $0x3560;
	[sflag:s1] =	ssyncadd.s32 $0xFFFF3800  }
0xd0: {  	[tilespmem:s31], [sflag:$0x1] =	stream.indirect.gather.add.f32 [hbm:s3], $0x80, s9, s30, $0xb8;
	[tilespmem:$0x1CF00] =	vst v63  }
0xd1: {  	_ =	swait.ge [sflag:s6], $0xC800  }
0xd2: {  	[sflag:s6] =	ssyncset.done $0x0  }
0xd3: {  	s9 =	simm.s32 $0x1770;
	[sflag:s6] =	ssyncadd.s32 $0xFFFF3800  }
0xd4: {  	[tilespmem:s0], [sflag:$0x2] =	stream.indirect.gather [hbm4b:s3+s30], $0x80, s9, s30, $0xb8;
	[tilespmem:$0x1CF00] =	vst v63  }
0xd5: {  	_ =	swait.ge [sflag:s1], $0xC800  }
0xd6: {  	[sflag:s1] =	ssyncset.done $0x0  }
0xd7: {  	[sflag:s1] =	ssyncadd.s32 $0xFFFF3800  }
0xd8: {  	[hbm4b:s20+s2] =	stream.linear.scatter [tilespmem:s31], [sflag:$0x3], $0xC800, $0x38;
	[tilespmem:$0x1CF00] =	vst v63  }
0xd9: {  	_ =	swait.ge [sflag:s4], $0xC800  }
0xda: {  	[sflag:s4] =	ssyncset.done $0x0  }
0xdb: {  	s9 =	simm.s32 $0x36F0;
	[sflag:s4] =	ssyncadd.s32 $0xFFFF3800  }
0xdc: {  	[tilespmem:s0], [sflag:$0x2] =	stream.indirect.gather.add.f32 [hbm:s3], $0x80, s9, s30, $0xb8;
	[tilespmem:$0x1CF00] =	vst v63  }
0xdd: {  	_ =	swait.ge [sflag:s5], $0xC800  }
0xde: {  	[sflag:s5] =	ssyncset.done $0x0  }
0xdf: {  	s9 =	simm.s32 $0x1900;
	[sflag:s5] =	ssyncadd.s32 $0xFFFF3800  }
0xe0: {  	[tilespmem:s31], [sflag:$0x1] =	stream.indirect.gather [hbm4b:s3+s30], $0x80, s9, s30, $0xb8;
	[tilespmem:$0x1CF00] =	vst v63  }
0xe1: {  	_ =	swait.ge [sflag:s4], $0xC800  }
0xe2: {  	[sflag:s4] =	ssyncset.done $0x0  }
0xe3: {  	[sflag:s4] =	ssyncadd.s32 $0xFFFF3800  }
0xe4: {  	[hbm4b:s21+s2] =	stream.linear.scatter [tilespmem:s0], [sflag:$0x4], $0xC800, $0x38;
	[tilespmem:$0x1CF00] =	vst v63  }
0xe5: {  	_ =	swait.ge [sflag:s1], $0xC800  }
0xe6: {  	[sflag:s1] =	ssyncset.done $0x0  }
0xe7: {  	s9 =	simm.s32 $0x3880;
	[sflag:s1] =	ssyncadd.s32 $0xFFFF3800  }
0xe8: {  	[tilespmem:s31], [sflag:$0x1] =	stream.indirect.gather.add.f32 [hbm:s3], $0x80, s9, s30, $0xb8;
	[tilespmem:$0x1CF00] =	vst v63  }
0xe9: {  	_ =	swait.ge [sflag:s6], $0xC800  }
0xea: {  	[sflag:s6] =	ssyncset.done $0x0  }
0xeb: {  	s9 =	simm.s32 $0x1A90;
	[sflag:s6] =	ssyncadd.s32 $0xFFFF3800  }
0xec: {  	[tilespmem:s0], [sflag:$0x2] =	stream.indirect.gather [hbm4b:s3+s30], $0x80, s9, s30, $0xb8;
	[tilespmem:$0x1CF00] =	vst v63  }
0xed: {  	_ =	swait.ge [sflag:s1], $0xC800  }
0xee: {  	[sflag:s1] =	ssyncset.done $0x0  }
0xef: {  	[sflag:s1] =	ssyncadd.s32 $0xFFFF3800  }
0xf0: {  	[hbm4b:s22+s2] =	stream.linear.scatter [tilespmem:s31], [sflag:$0x3], $0xC800, $0x38;
	[tilespmem:$0x1CF00] =	vst v63  }
0xf1: {  	_ =	swait.ge [sflag:s4], $0xC800  }
0xf2: {  	[sflag:s4] =	ssyncset.done $0x0  }
0xf3: {  	s9 =	simm.s32 $0x3A10;
	[sflag:s4] =	ssyncadd.s32 $0xFFFF3800  }
0xf4: {  	[tilespmem:s0], [sflag:$0x2] =	stream.indirect.gather.add.f32 [hbm:s3], $0x80, s9, s30, $0xb8;
	[tilespmem:$0x1CF00] =	vst v63  }
0xf5: {  	_ =	swait.ge [sflag:s5], $0xC800  }
0xf6: {  	[sflag:s5] =	ssyncset.done $0x0  }
0xf7: {  	s9 =	simm.s32 $0x1C20;
	[sflag:s5] =	ssyncadd.s32 $0xFFFF3800  }
0xf8: {  	[tilespmem:s31], [sflag:$0x1] =	stream.indirect.gather [hbm4b:s3+s30], $0x80, s9, s30, $0xb8;
	[tilespmem:$0x1CF00] =	vst v63  }
0xf9: {  	_ =	swait.ge [sflag:s4], $0xC800  }
0xfa: {  	[sflag:s4] =	ssyncset.done $0x0  }
0xfb: {  	[sflag:s4] =	ssyncadd.s32 $0xFFFF3800  }
0xfc: {  	[hbm4b:s23+s2] =	stream.linear.scatter [tilespmem:s0], [sflag:$0x4], $0xC800, $0x38;
	[tilespmem:$0x1CF00] =	vst v63  }
0xfd: {  	_ =	swait.ge [sflag:s1], $0xC800  }
0xfe: {  	[sflag:s1] =	ssyncset.done $0x0  }
0xff: {  	s9 =	simm.s32 $0x3BA0;
	[sflag:s1] =	ssyncadd.s32 $0xFFFF3800  }
0x100: {  	[tilespmem:s31], [sflag:$0x1] =	stream.indirect.gather.add.f32 [hbm:s3], $0x80, s9, s30, $0xb8;
	[tilespmem:$0x1CF00] =	vst v63  }
0x101: {  	_ =	swait.ge [sflag:s6], $0xC800  }
0x102: {  	[sflag:s6] =	ssyncset.done $0x0  }
0x103: {  	s9 =	simm.s32 $0x1DB0;
	[sflag:s6] =	ssyncadd.s32 $0xFFFF3800  }
0x104: {  	[tilespmem:s0], [sflag:$0x2] =	stream.indirect.gather [hbm4b:s3+s30], $0x80, s9, s30, $0xb8;
	[tilespmem:$0x1CF00] =	vst v63  }
0x105: {  	_ =	swait.ge [sflag:s1], $0xC800  }
0x106: {  	[sflag:s1] =	ssyncset.done $0x0  }
0x107: {  	[sflag:s1] =	ssyncadd.s32 $0xFFFF3800  }
0x108: {  	[hbm4b:s24+s2] =	stream.linear.scatter [tilespmem:s31], [sflag:$0x3], $0xC800, $0x38;
	[tilespmem:$0x1CF00] =	vst v63  }
0x109: {  	_ =	swait.ge [sflag:s4], $0xC800  }
0x10a: {  	[sflag:s4] =	ssyncset.done $0x0  }
0x10b: {  	s9 =	simm.s32 $0x3D30;
	[sflag:s4] =	ssyncadd.s32 $0xFFFF3800  }
0x10c: {  	[tilespmem:s0], [sflag:$0x2] =	stream.indirect.gather.add.f32 [hbm:s3], $0x80, s9, s30, $0xb8;
	[tilespmem:$0x1CF00] =	vst v63  }
0x10d: {  	_ =	swait.ge [sflag:s5], $0xC800  }
0x10e: {  	[sflag:s5] =	ssyncset.done $0x0  }
0x10f: {  	[sflag:s5] =	ssyncadd.s32 $0xFFFF3800  }
0x110: {  	s7 =	sadd.s32 $0x1, s7;
	_ =	swait.ge [sflag:s4], $0xC800  }
0x111: {  	p0 =	sne.s32 s7, s26;
	[sflag:s4] =	ssyncset.done $0x0  }
.Ltmp1:
0x112: {  	[sflag:s4] =	ssyncadd.s32 $0xFFFF3800;
	(pc) =	sbr.rel @p0 .LBB2_1-.Ltmp1, $4  }
0x113: {  	[hbm4b:s25+s2] =	stream.linear.scatter [tilespmem:s0], [sflag:$0x4], $0xC800, $0x38;
	[tilespmem:$0x1CF00] =	vst v63  }
0x114: {  	_ =	swait.ge [sflag:s6], $0xC800  }
0x115: {  	[sflag:s6] =	ssyncset.done $0x0  }
0x116: {  	[sflag:s6] =	ssyncadd.s32 $0xFFFF3800  }
0x117: {  	_ =	sfence.sel $0x180000  }
0x118: {  	[bflag:$0x0] =	sbarrier.arrive $0xFFFF  }
0x119: {  	_ =	strace $0x90000047  }
0x11a: {  	s0 =	stileid.u32;
	[bflag:$0x2] =	sbarrier.arrive $0xFFFF  }
0x11b: {  	p0 =	sne.s32 s0, $0x0;
	s0 =	rddreg [dreg:$0x1]  }
0x11c: {  	s0 =	sadd.s32 @!p0 $0x100000, s0  }
0x11d: {  	[sflag:s0] =	ssyncadd.tile.s32 @!p0 $0x1;
	_ =	shalt  }
.Lfunc_end2:
_tile_overlayer_lowered:
.L_overlay_start_2:
0x11e: {  	(tag) =	ssettag $0x2  }
0x11f: {  	s0 =	rddreg [dreg:$0x0];
	s2 =	stileid.u32  }
0x120: {  	s1 =	rddreg [dreg:$0x1];
	p0 =	sne.s32 s2, $0x0  }
0x121: {  	s3 =	rddreg [dreg:$0x2];
	[bflag:$0x3] =	sbarrier.arrive $0xFFFF;
	s2 =	simm.s32 @!p0 $0x1C05  }
0x122: {  	[timem:s3], [sflag:s2] =	dma.local @!p0 [hbm:s0], s1  }
0x123: {  	s0 =	simm.s32 @!p0 $0x5  }
0x124: {  	_ =	swait.ge @!p0 [sflag:s0], s1  }
0x125: {  	s1 =	ssub.s32 @!p0 $0x0, s1;
	[sflag:s0] =	ssyncset.done @!p0 $0x0  }
0x126: {  	[sflag:s0] =	ssyncadd.s32 @!p0 s1  }
0x127: {  	[bflag:$0x3] =	sbarrier.arrive $0xFFFF  }
0x128: {  	_ =	shalt  }

</sc_bundles>
